<compile_context>
chip_gen: v7x
topology: tpu7x:2x2x1
jax: 0.10.2.dev20260603
libtpu: 0.0.44.dev20260713+nightly
codegen_flags: <defaults>
</compile_context>

<pallas_src>
import functools

import jax
import jax.numpy as jnp
from jax import lax
from jax.experimental import pallas as pl
from jax.experimental.pallas import tpu as pltpu
from jax.experimental.pallas import tpu_sc as plsc

VOCAB = 100000
D = 300
MAINW = 256
TAILW = 128
TOFF = 172
OV = MAINW - TOFF
B = 4096 * 50
CHUNK = 128
NW = 32
CPT = B // (NW * CHUNK)


def _make_gather():
    mesh = plsc.VectorSubcoreMesh(core_axis_name="c", subcore_axis_name="s")

    @functools.partial(
        pl.kernel,
        mesh=mesh,
        out_type=jax.ShapeDtypeStruct((B, D), jnp.float32),
        compiler_params=pltpu.CompilerParams(needs_layout_passes=False),
        scratch_types=[
            pltpu.VMEM((CPT, CHUNK), jnp.int32),
            pltpu.VMEM((CHUNK, D), jnp.float32),
            pltpu.VMEM((CHUNK, D), jnp.float32),
            pltpu.VMEM((CHUNK, TAILW), jnp.float32),
            pltpu.SemaphoreType.DMA,
            pltpu.SemaphoreType.DMA,
            pltpu.SemaphoreType.DMA,
            pltpu.SemaphoreType.DMA,
            pltpu.SemaphoreType.DMA,
        ],
    )
    def gather(idx_hbm, table_hbm, tail_hbm, out_hbm,
               idx_v, o0, o1, b, sa0, sa1, sb, sw0, sw1):
        wid = lax.axis_index("s") * 2 + lax.axis_index("c")
        base_chunk = wid * CPT
        tmain = table_hbm.at[:, pl.ds(0, MAINW)]
        pltpu.sync_copy(idx_hbm.at[wid], idx_v)

        def start_main(c, o, sa):
            pltpu.async_copy(tmain.at[idx_v.at[c]], o.at[:, pl.ds(0, MAINW)], sa)

        def wait_main(c, o, sa):
            pltpu.make_async_copy(
                tmain.at[idx_v.at[c]], o.at[:, pl.ds(0, MAINW)], sa).wait()

        def start_tail(c):
            pltpu.async_copy(tail_hbm.at[idx_v.at[c]], b, sb)

        def wait_tail(c):
            pltpu.make_async_copy(tail_hbm.at[idx_v.at[c]], b, sb).wait()

        def stitch(o):
            lane = lax.iota(jnp.int32, 16)
            cols = MAINW + 28 + lane
            msk = cols >= MAINW + 32

            def row(r, _):
                o[r, pl.ds(MAINW, 16)] = b[r, pl.ds(OV, 16)]
                o[r, pl.ds(MAINW + 16, 16)] = b[r, pl.ds(OV + 16, 16)]
                v = b[r, pl.ds(OV + 28, 16)]
                rows16 = jnp.full((16,), r, jnp.int32)
                plsc.store_scatter(o, [rows16, cols], v, mask=msk)
                return ()
            lax.fori_loop(0, CHUNK, row, ())

        def wait_write(o, sw):
            pltpu.make_async_copy(o, out_hbm.at[pl.ds(0, CHUNK)], sw).wait()

        start_main(0, o0, sa0)
        start_tail(0)

        def pair(i, _):
            c = i * 2
            wait_main(c, o0, sa0)
            wait_tail(c)

            @pl.when(i > 0)
            def _():
                wait_write(o1, sw1)

            start_main(c + 1, o1, sa1)
            stitch(o0)
            start_tail(c + 1)
            pltpu.async_copy(
                o0, out_hbm.at[pl.ds((base_chunk + c) * CHUNK, CHUNK)], sw0)
            wait_main(c + 1, o1, sa1)
            wait_tail(c + 1)

            @pl.when(c + 2 < CPT)
            def _():
                wait_write(o0, sw0)
                start_main(c + 2, o0, sa0)

            stitch(o1)

            @pl.when(c + 2 < CPT)
            def _():
                start_tail(c + 2)

            pltpu.async_copy(
                o1, out_hbm.at[pl.ds((base_chunk + c + 1) * CHUNK, CHUNK)], sw1)
            return ()

        lax.fori_loop(0, CPT // 2, pair, ())
        wait_write(o0, sw0)
        wait_write(o1, sw1)

    return gather


_gather = _make_gather()


def kernel(tokens, table):
    idx = tokens.astype(jnp.int32).reshape(NW, CPT, CHUNK)
    msk = jax.lax.optimization_barrier(jnp.ones((1, TAILW), jnp.bool_))
    tail = jnp.where(msk, table[:, TOFF:TOFF + TAILW], 0.0)
    out = _gather(idx, table, tail)
    return out.reshape(tokens.shape[0], tokens.shape[1], D)

# --- scband reference (transcript-rebuilt; emitter-appended) ---
"""Pipeline reference for scband-pretrained-token-embedding-13615046328680 (READ-ONLY COPY).

The authoritative reference and input builder live on the scoring server;
editing this copy changes nothing except your own understanding.
"""

import jax, jax.numpy as jnp
import numpy as np

VOCAB_SIZE = 100000
EMBED_DIM = 300

def setup_inputs(seed: int = 0) -> dict:
    key = jax.random.key(seed)
    k1, k2 = jax.random.split(key)
    tokens = jax.random.randint(k1, (4096, 50), 0, VOCAB_SIZE, dtype=jnp.int64 if jax.config.jax_enable_x64 else jnp.int32)
    table = jax.random.normal(k2, (VOCAB_SIZE, EMBED_DIM), dtype=jnp.float32)
    return {"tokens": tokens, "table": table}

def reference(tokens, table):
    # PretrainedTokenEmbedding.forward: map token ids -> embedding rows.
    # (The original maps strings -> ids via vocab.stoi; here ids are given directly.)
    return jnp.take(table, tokens, axis=0)

if __name__ == "__main__":
    import jax
    _d = setup_inputs()
    print(jax.jit(kernel)(*tuple(_d.values())))

</pallas_src>

<mosaic_0001>
#map = affine_map<(d0, d1) -> (0, 0, 0)>
#map1 = affine_map<(d0, d1) -> (0, 0)>
module attributes {stable_mosaic.version = 14 : i64} {
  func.func @gather(%arg0: i32, %arg1: i32, %arg2: memref<32x50x128xi32, #tpu.memory_space<hbm>>, %arg3: memref<100000x300xf32, #tpu.memory_space<hbm>>, %arg4: memref<100000x128xf32, #tpu.memory_space<hbm>>, %arg5: memref<204800x300xf32, #tpu.memory_space<hbm>>, %arg6: memref<50x128xi32, #tpu.memory_space<vmem>>, %arg7: memref<128x300xf32, #tpu.memory_space<vmem>>, %arg8: memref<128x300xf32, #tpu.memory_space<vmem>>, %arg9: memref<128x128xf32, #tpu.memory_space<vmem>>, %arg10: memref<!tpu.dma_semaphore, #tpu.memory_space<semaphore_mem>>, %arg11: memref<!tpu.dma_semaphore, #tpu.memory_space<semaphore_mem>>, %arg12: memref<!tpu.dma_semaphore, #tpu.memory_space<semaphore_mem>>, %arg13: memref<!tpu.dma_semaphore, #tpu.memory_space<semaphore_mem>>, %arg14: memref<!tpu.dma_semaphore, #tpu.memory_space<semaphore_mem>>) attributes {dimension_semantics = [#tpu.dimension_semantics<core_parallel>, #tpu.dimension_semantics<subcore_parallel>], iteration_bounds = array<i64: 2, 16>, scalar_prefetch = 0 : i64, scratch_operands = 9 : i64, tpu.core_type = #tpu.core_type<sc_vector_subcore>, window_params = [{transform_indices = #map}, {transform_indices = #map1}, {transform_indices = #map1}, {transform_indices = #map1}]} {
    %mul3A = arith.constant 2 : i32
    %mul3A_0 = arith.muli %arg1, %mul3A : i32
    %add3A = arith.addi %mul3A_0, %arg0 : i32
    %mul3A_1 = arith.constant 50 : i32
    %mul3A_2 = arith.muli %add3A, %mul3A_1 : i32
    "tpu.region"() ({
      %run_scoped3A = tpu.sem_alloc : memref<!tpu.dma_semaphore, #tpu.memory_space<semaphore_mem>>
      %dma_start3A_37 = arith.constant 0 : i32
      %dma_start3A_38 = arith.constant 0 : i32
      %dma_start3A_39 = tpu.memref_slice %arg2[%add3A, %dma_start3A_37, %dma_start3A_38] : memref<32x50x128xi32, #tpu.memory_space<hbm>> -> memref<1x50x128xi32, #tpu.memory_space<hbm>>
      %dma_start3A_40 = tpu.memref_squeeze %dma_start3A_39 : memref<1x50x128xi32, #tpu.memory_space<hbm>> -> memref<50x128xi32, #tpu.memory_space<hbm>>
      %dma_start3A_41 = arith.constant 0 : i32
      %dma_start3A_42 = arith.constant 0 : i32
      %dma_start3A_43 = tpu.memref_slice %arg2[%add3A, %dma_start3A_41, %dma_start3A_42] : memref<32x50x128xi32, #tpu.memory_space<hbm>> -> memref<1x50x128xi32, #tpu.memory_space<hbm>>
      %dma_start3A_44 = tpu.memref_squeeze %dma_start3A_43 : memref<1x50x128xi32, #tpu.memory_space<hbm>> -> memref<50x128xi32, #tpu.memory_space<hbm>>
      tpu.enqueue_dma source(%dma_start3A_44 : memref<50x128xi32, #tpu.memory_space<hbm>>) target(%arg6 : memref<50x128xi32, #tpu.memory_space<vmem>>) target_semaphore(%run_scoped3A : memref<!tpu.dma_semaphore, #tpu.memory_space<semaphore_mem>>)
      %dma_wait3A_45 = arith.constant 0 : i32
      %dma_wait3A_46 = arith.constant 0 : i32
      %dma_wait3A_47 = tpu.memref_slice %arg2[%add3A, %dma_wait3A_45, %dma_wait3A_46] : memref<32x50x128xi32, #tpu.memory_space<hbm>> -> memref<1x50x128xi32, #tpu.memory_space<hbm>>
      %dma_wait3A_48 = tpu.memref_squeeze %dma_wait3A_47 : memref<1x50x128xi32, #tpu.memory_space<hbm>> -> memref<50x128xi32, #tpu.memory_space<hbm>>
      %dma_wait3A_49 = arith.constant 0 : i32
      %dma_wait3A_50 = arith.constant 0 : i32
      %dma_wait3A_51 = tpu.memref_slice %arg2[%add3A, %dma_wait3A_49, %dma_wait3A_50] : memref<32x50x128xi32, #tpu.memory_space<hbm>> -> memref<1x50x128xi32, #tpu.memory_space<hbm>>
      %dma_wait3A_52 = tpu.memref_squeeze %dma_wait3A_51 : memref<1x50x128xi32, #tpu.memory_space<hbm>> -> memref<50x128xi32, #tpu.memory_space<hbm>>
      tpu.wait_dma2 semaphore(%run_scoped3A : memref<!tpu.dma_semaphore, #tpu.memory_space<semaphore_mem>>) src(%dma_wait3A_52 : memref<50x128xi32, #tpu.memory_space<hbm>>) dst(%arg6 : memref<50x128xi32, #tpu.memory_space<vmem>>)
      tpu.yield
    }) : () -> ()
    %dma_start3A = arith.constant 0 : i32
    %dma_start3A_3 = arith.constant 0 : i32
    %dma_start3A_4 = arith.constant 0 : i32
    %dma_start3A_5 = tpu.memref_slice %arg7[%dma_start3A_3, %dma_start3A_4] : memref<128x300xf32, #tpu.memory_space<vmem>> -> memref<128x256xf32, #tpu.memory_space<vmem>>
    %dma_start3A_6 = arith.constant 0 : i32
    %dma_start3A_7 = tpu.memref_slice %arg6[%dma_start3A, %dma_start3A_6] : memref<50x128xi32, #tpu.memory_space<vmem>> -> memref<1x128xi32, #tpu.memory_space<vmem>>
    %dma_start3A_8 = tpu.memref_squeeze %dma_start3A_7 : memref<1x128xi32, #tpu.memory_space<vmem>> -> memref<128xi32, #tpu.memory_space<vmem>>
    %dma_start3A_9 = arith.constant 0 : i32
    %dma_start3A_10 = arith.constant 0 : i32
    %dma_start3A_11 = tpu.memref_slice %arg3[%dma_start3A_9, %dma_start3A_10] : memref<100000x300xf32, #tpu.memory_space<hbm>> -> memref<100000x256xf32, #tpu.memory_space<hbm>>
    %dma_start3A_12 = arith.constant 0 : i32
    %dma_start3A_13 = arith.constant 0 : i32
    %dma_start3A_14 = tpu.memref_slice %dma_start3A_11[%dma_start3A_12, %dma_start3A_13] : memref<100000x256xf32, #tpu.memory_space<hbm>> -> memref<100000x256xf32, #tpu.memory_space<hbm>>
    tpu.enqueue_indirect_dma source(%dma_start3A_14 : memref<100000x256xf32, #tpu.memory_space<hbm>>) target(%dma_start3A_5 : memref<128x256xf32, #tpu.memory_space<vmem>>) offsets(%dma_start3A_8 : memref<128xi32, #tpu.memory_space<vmem>>) semaphore(%arg10 : memref<!tpu.dma_semaphore, #tpu.memory_space<semaphore_mem>>)
    %dma_start3A_15 = arith.constant 0 : i32
    %dma_start3A_16 = arith.constant 0 : i32
    %dma_start3A_17 = tpu.memref_slice %arg6[%dma_start3A_15, %dma_start3A_16] : memref<50x128xi32, #tpu.memory_space<vmem>> -> memref<1x128xi32, #tpu.memory_space<vmem>>
    %dma_start3A_18 = tpu.memref_squeeze %dma_start3A_17 : memref<1x128xi32, #tpu.memory_space<vmem>> -> memref<128xi32, #tpu.memory_space<vmem>>
    %dma_start3A_19 = arith.constant 0 : i32
    %dma_start3A_20 = arith.constant 0 : i32
    %dma_start3A_21 = tpu.memref_slice %arg4[%dma_start3A_19, %dma_start3A_20] : memref<100000x128xf32, #tpu.memory_space<hbm>> -> memref<100000x128xf32, #tpu.memory_space<hbm>>
    tpu.enqueue_indirect_dma source(%dma_start3A_21 : memref<100000x128xf32, #tpu.memory_space<hbm>>) target(%arg9 : memref<128x128xf32, #tpu.memory_space<vmem>>) offsets(%dma_start3A_18 : memref<128xi32, #tpu.memory_space<vmem>>) semaphore(%arg12 : memref<!tpu.dma_semaphore, #tpu.memory_space<semaphore_mem>>)
    %scan3A = arith.constant 0 : i32
    %scan3A_22 = arith.constant 25 : i32
    %scan3A_23 = arith.addi %scan3A, %scan3A_22 : i32
    %scan3A_24 = arith.constant 1 : i32
    scf.for %scan3A_37 = %scan3A to %scan3A_23 step %scan3A_24  : i32 {
      %mul3A_38 = arith.constant 2 : i32
      %mul3A_39 = arith.muli %scan3A_37, %mul3A_38 : i32
      %dma_wait3A_40 = arith.constant 0 : i32
      %dma_wait3A_41 = arith.constant 0 : i32
      %dma_wait3A_42 = tpu.memref_slice %arg7[%dma_wait3A_40, %dma_wait3A_41] : memref<128x300xf32, #tpu.memory_space<vmem>> -> memref<128x256xf32, #tpu.memory_space<vmem>>
      %dma_wait3A_43 = arith.constant 0 : i32
      %dma_wait3A_44 = tpu.memref_slice %arg6[%mul3A_39, %dma_wait3A_43] : memref<50x128xi32, #tpu.memory_space<vmem>> -> memref<1x128xi32, #tpu.memory_space<vmem>>
      %dma_wait3A_45 = tpu.memref_squeeze %dma_wait3A_44 : memref<1x128xi32, #tpu.memory_space<vmem>> -> memref<128xi32, #tpu.memory_space<vmem>>
      %dma_wait3A_46 = arith.constant 0 : i32
      %dma_wait3A_47 = arith.constant 0 : i32
      %dma_wait3A_48 = tpu.memref_slice %arg3[%dma_wait3A_46, %dma_wait3A_47] : memref<100000x300xf32, #tpu.memory_space<hbm>> -> memref<100000x256xf32, #tpu.memory_space<hbm>>
      %dma_wait3A_49 = arith.constant 0 : i32
      %dma_wait3A_50 = arith.constant 0 : i32
      %dma_wait3A_51 = tpu.memref_slice %dma_wait3A_48[%dma_wait3A_49, %dma_wait3A_50] : memref<100000x256xf32, #tpu.memory_space<hbm>> -> memref<100000x256xf32, #tpu.memory_space<hbm>>
      tpu.wait_indirect_dma semaphore(%arg10 : memref<!tpu.dma_semaphore, #tpu.memory_space<semaphore_mem>>) src(%dma_wait3A_51 : memref<100000x256xf32, #tpu.memory_space<hbm>>) dst(%dma_wait3A_42 : memref<128x256xf32, #tpu.memory_space<vmem>>)
      %dma_wait3A_52 = arith.constant 0 : i32
      %dma_wait3A_53 = tpu.memref_slice %arg6[%mul3A_39, %dma_wait3A_52] : memref<50x128xi32, #tpu.memory_space<vmem>> -> memref<1x128xi32, #tpu.memory_space<vmem>>
      %dma_wait3A_54 = tpu.memref_squeeze %dma_wait3A_53 : memref<1x128xi32, #tpu.memory_space<vmem>> -> memref<128xi32, #tpu.memory_space<vmem>>
      %dma_wait3A_55 = arith.constant 0 : i32
      %dma_wait3A_56 = arith.constant 0 : i32
      %dma_wait3A_57 = tpu.memref_slice %arg4[%dma_wait3A_55, %dma_wait3A_56] : memref<100000x128xf32, #tpu.memory_space<hbm>> -> memref<100000x128xf32, #tpu.memory_space<hbm>>
      tpu.wait_indirect_dma semaphore(%arg12 : memref<!tpu.dma_semaphore, #tpu.memory_space<semaphore_mem>>) src(%dma_wait3A_57 : memref<100000x128xf32, #tpu.memory_space<hbm>>) dst(%arg9 : memref<128x128xf32, #tpu.memory_space<vmem>>)
      %gt3A = arith.constant 0 : i32
      %gt3A_58 = arith.cmpi sgt, %scan3A_37, %gt3A : i32
      %convert_element_type3A = arith.extui %gt3A_58 : i1 to i32
      %cond3A = arith.constant 0 : i32
      %cond3A_59 = arith.cmpi ne, %convert_element_type3A, %cond3A : i32
      scf.if %cond3A_59 {
        %dma_wait3A_155 = arith.constant 0 : i32
        %dma_wait3A_156 = arith.constant 0 : i32
        %dma_wait3A_157 = tpu.memref_slice %arg5[%dma_wait3A_155, %dma_wait3A_156] : memref<204800x300xf32, #tpu.memory_space<hbm>> -> memref<128x300xf32, #tpu.memory_space<hbm>>
        %dma_wait3A_158 = arith.constant 0 : i32
        %dma_wait3A_159 = arith.constant 0 : i32
        %dma_wait3A_160 = tpu.memref_slice %arg5[%dma_wait3A_158, %dma_wait3A_159] : memref<204800x300xf32, #tpu.memory_space<hbm>> -> memref<128x300xf32, #tpu.memory_space<hbm>>
        tpu.wait_dma2 semaphore(%arg14 : memref<!tpu.dma_semaphore, #tpu.memory_space<semaphore_mem>>) src(%arg8 : memref<128x300xf32, #tpu.memory_space<vmem>>) dst(%dma_wait3A_160 : memref<128x300xf32, #tpu.memory_space<hbm>>)
      } else {
      }
      %add3A_60 = arith.constant 1 : i32
      %add3A_61 = arith.addi %mul3A_39, %add3A_60 : i32
      %dma_start3A_62 = arith.constant 0 : i32
      %dma_start3A_63 = arith.constant 0 : i32
      %dma_start3A_64 = tpu.memref_slice %arg8[%dma_start3A_62, %dma_start3A_63] : memref<128x300xf32, #tpu.memory_space<vmem>> -> memref<128x256xf32, #tpu.memory_space<vmem>>
      %dma_start3A_65 = arith.constant 0 : i32
      %dma_start3A_66 = tpu.memref_slice %arg6[%add3A_61, %dma_start3A_65] : memref<50x128xi32, #tpu.memory_space<vmem>> -> memref<1x128xi32, #tpu.memory_space<vmem>>
      %dma_start3A_67 = tpu.memref_squeeze %dma_start3A_66 : memref<1x128xi32, #tpu.memory_space<vmem>> -> memref<128xi32, #tpu.memory_space<vmem>>
      %dma_start3A_68 = arith.constant 0 : i32
      %dma_start3A_69 = arith.constant 0 : i32
      %dma_start3A_70 = tpu.memref_slice %arg3[%dma_start3A_68, %dma_start3A_69] : memref<100000x300xf32, #tpu.memory_space<hbm>> -> memref<100000x256xf32, #tpu.memory_space<hbm>>
      %dma_start3A_71 = arith.constant 0 : i32
      %dma_start3A_72 = arith.constant 0 : i32
      %dma_start3A_73 = tpu.memref_slice %dma_start3A_70[%dma_start3A_71, %dma_start3A_72] : memref<100000x256xf32, #tpu.memory_space<hbm>> -> memref<100000x256xf32, #tpu.memory_space<hbm>>
      tpu.enqueue_indirect_dma source(%dma_start3A_73 : memref<100000x256xf32, #tpu.memory_space<hbm>>) target(%dma_start3A_64 : memref<128x256xf32, #tpu.memory_space<vmem>>) offsets(%dma_start3A_67 : memref<128xi32, #tpu.memory_space<vmem>>) semaphore(%arg11 : memref<!tpu.dma_semaphore, #tpu.memory_space<semaphore_mem>>)
      %iota3A = tpu.iota {dimensions = array<i32: 0>} : vector<16xi32>
      %add3A_74 = arith.constant 284 : i32
      %add3A_75 = vector.broadcast %add3A_74 : i32 to vector<16xi32>
      %add3A_76 = arith.addi %add3A_75, %iota3A : vector<16xi32>
      %ge3A = arith.constant 288 : i32
      %ge3A_77 = vector.broadcast %ge3A : i32 to vector<16xi32>
      %ge3A_78 = arith.cmpi sge, %add3A_76, %ge3A_77 : vector<16xi32>
      %scan3A_79 = arith.constant 0 : i32
      %scan3A_80 = arith.constant 128 : i32
      %scan3A_81 = arith.addi %scan3A_79, %scan3A_80 : i32
      %scan3A_82 = arith.constant 1 : i32
      scf.for %scan3A_155 = %scan3A_79 to %scan3A_81 step %scan3A_82  : i32 {
        %get3A = arith.index_cast %scan3A_155 : i32 to index
        %get3A_156 = arith.constant 84 : index
        %get3A_157 = tpu.vector_load %arg9[%get3A, %get3A_156] {strides = array<i32>} : memref<128x128xf32, #tpu.memory_space<vmem>>, vector<16xf32>,
        %swap3A = arith.index_cast %scan3A_155 : i32 to index
        %swap3A_158 = arith.constant 256 : index
        %swap3A_159 = tpu.vector_load %arg7[%swap3A, %swap3A_158] {strides = array<i32>} : memref<128x300xf32, #tpu.memory_space<vmem>>, vector<16xf32>,
        tpu.vector_store %arg7[%swap3A, %swap3A_158], %get3A_157 {strides = array<i32>} : memref<128x300xf32, #tpu.memory_space<vmem>>, vector<16xf32>,
        %get3A_160 = arith.index_cast %scan3A_155 : i32 to index
        %get3A_161 = arith.constant 100 : index
        %get3A_162 = tpu.vector_load %arg9[%get3A_160, %get3A_161] {strides = array<i32>} : memref<128x128xf32, #tpu.memory_space<vmem>>, vector<16xf32>,
        %swap3A_163 = arith.index_cast %scan3A_155 : i32 to index
        %swap3A_164 = arith.constant 272 : index
        %swap3A_165 = tpu.vector_load %arg7[%swap3A_163, %swap3A_164] {strides = array<i32>} : memref<128x300xf32, #tpu.memory_space<vmem>>, vector<16xf32>,
        tpu.vector_store %arg7[%swap3A_163, %swap3A_164], %get3A_162 {strides = array<i32>} : memref<128x300xf32, #tpu.memory_space<vmem>>, vector<16xf32>,
        %get3A_166 = arith.index_cast %scan3A_155 : i32 to index
        %get3A_167 = arith.constant 112 : index
        %get3A_168 = tpu.vector_load %arg9[%get3A_166, %get3A_167] {strides = array<i32>} : memref<128x128xf32, #tpu.memory_space<vmem>>, vector<16xf32>,
        %broadcast_in_dim3A = vector.broadcast %scan3A_155 : i32 to vector<16xi32>
        tpu.vector_store_idx %arg7[%broadcast_in_dim3A, %add3A_76], %get3A_168 masked %ge3A_78 : memref<128x300xf32, #tpu.memory_space<vmem>>[vector<16xi32>, vector<16xi32>], vector<16xf32>, vector<16xi1>
      }
      %scan3A_83 = arith.constant 128 : i32
      %add3A_84 = arith.constant 1 : i32
      %add3A_85 = arith.addi %mul3A_39, %add3A_84 : i32
      %dma_start3A_86 = arith.constant 0 : i32
      %dma_start3A_87 = tpu.memref_slice %arg6[%add3A_85, %dma_start3A_86] : memref<50x128xi32, #tpu.memory_space<vmem>> -> memref<1x128xi32, #tpu.memory_space<vmem>>
      %dma_start3A_88 = tpu.memref_squeeze %dma_start3A_87 : memref<1x128xi32, #tpu.memory_space<vmem>> -> memref<128xi32, #tpu.memory_space<vmem>>
      %dma_start3A_89 = arith.constant 0 : i32
      %dma_start3A_90 = arith.constant 0 : i32
      %dma_start3A_91 = tpu.memref_slice %arg4[%dma_start3A_89, %dma_start3A_90] : memref<100000x128xf32, #tpu.memory_space<hbm>> -> memref<100000x128xf32, #tpu.memory_space<hbm>>
      tpu.enqueue_indirect_dma source(%dma_start3A_91 : memref<100000x128xf32, #tpu.memory_space<hbm>>) target(%arg9 : memref<128x128xf32, #tpu.memory_space<vmem>>) offsets(%dma_start3A_88 : memref<128xi32, #tpu.memory_space<vmem>>) semaphore(%arg12 : memref<!tpu.dma_semaphore, #tpu.memory_space<semaphore_mem>>)
      %add3A_92 = arith.addi %mul3A_2, %mul3A_39 : i32
      %mul3A_93 = arith.constant 128 : i32
      %mul3A_94 = arith.muli %add3A_92, %mul3A_93 : i32
      %dma_start3A_95 = arith.constant 0 : i32
      %dma_start3A_96 = tpu.memref_slice %arg5[%mul3A_94, %dma_start3A_95] : memref<204800x300xf32, #tpu.memory_space<hbm>> -> memref<128x300xf32, #tpu.memory_space<hbm>>
      %dma_start3A_97 = arith.constant 0 : i32
      %dma_start3A_98 = tpu.memref_slice %arg5[%mul3A_94, %dma_start3A_97] : memref<204800x300xf32, #tpu.memory_space<hbm>> -> memref<128x300xf32, #tpu.memory_space<hbm>>
      tpu.enqueue_dma source(%arg7 : memref<128x300xf32, #tpu.memory_space<vmem>>) target(%dma_start3A_98 : memref<128x300xf32, #tpu.memory_space<hbm>>) target_semaphore(%arg13 : memref<!tpu.dma_semaphore, #tpu.memory_space<semaphore_mem>>)
      %add3A_99 = arith.constant 1 : i32
      %add3A_100 = arith.addi %mul3A_39, %add3A_99 : i32
      %dma_wait3A_101 = arith.constant 0 : i32
      %dma_wait3A_102 = arith.constant 0 : i32
      %dma_wait3A_103 = tpu.memref_slice %arg8[%dma_wait3A_101, %dma_wait3A_102] : memref<128x300xf32, #tpu.memory_space<vmem>> -> memref<128x256xf32, #tpu.memory_space<vmem>>
      %dma_wait3A_104 = arith.constant 0 : i32
      %dma_wait3A_105 = tpu.memref_slice %arg6[%add3A_100, %dma_wait3A_104] : memref<50x128xi32, #tpu.memory_space<vmem>> -> memref<1x128xi32, #tpu.memory_space<vmem>>
      %dma_wait3A_106 = tpu.memref_squeeze %dma_wait3A_105 : memref<1x128xi32, #tpu.memory_space<vmem>> -> memref<128xi32, #tpu.memory_space<vmem>>
      %dma_wait3A_107 = arith.constant 0 : i32
      %dma_wait3A_108 = arith.constant 0 : i32
      %dma_wait3A_109 = tpu.memref_slice %arg3[%dma_wait3A_107, %dma_wait3A_108] : memref<100000x300xf32, #tpu.memory_space<hbm>> -> memref<100000x256xf32, #tpu.memory_space<hbm>>
      %dma_wait3A_110 = arith.constant 0 : i32
      %dma_wait3A_111 = arith.constant 0 : i32
      %dma_wait3A_112 = tpu.memref_slice %dma_wait3A_109[%dma_wait3A_110, %dma_wait3A_111] : memref<100000x256xf32, #tpu.memory_space<hbm>> -> memref<100000x256xf32, #tpu.memory_space<hbm>>
      tpu.wait_indirect_dma semaphore(%arg11 : memref<!tpu.dma_semaphore, #tpu.memory_space<semaphore_mem>>) src(%dma_wait3A_112 : memref<100000x256xf32, #tpu.memory_space<hbm>>) dst(%dma_wait3A_103 : memref<128x256xf32, #tpu.memory_space<vmem>>)
      %add3A_113 = arith.constant 1 : i32
      %add3A_114 = arith.addi %mul3A_39, %add3A_113 : i32
      %dma_wait3A_115 = arith.constant 0 : i32
      %dma_wait3A_116 = tpu.memref_slice %arg6[%add3A_114, %dma_wait3A_115] : memref<50x128xi32, #tpu.memory_space<vmem>> -> memref<1x128xi32, #tpu.memory_space<vmem>>
      %dma_wait3A_117 = tpu.memref_squeeze %dma_wait3A_116 : memref<1x128xi32, #tpu.memory_space<vmem>> -> memref<128xi32, #tpu.memory_space<vmem>>
      %dma_wait3A_118 = arith.constant 0 : i32
      %dma_wait3A_119 = arith.constant 0 : i32
      %dma_wait3A_120 = tpu.memref_slice %arg4[%dma_wait3A_118, %dma_wait3A_119] : memref<100000x128xf32, #tpu.memory_space<hbm>> -> memref<100000x128xf32, #tpu.memory_space<hbm>>
      tpu.wait_indirect_dma semaphore(%arg12 : memref<!tpu.dma_semaphore, #tpu.memory_space<semaphore_mem>>) src(%dma_wait3A_120 : memref<100000x128xf32, #tpu.memory_space<hbm>>) dst(%arg9 : memref<128x128xf32, #tpu.memory_space<vmem>>)
      %add3A_121 = arith.constant 2 : i32
      %add3A_122 = arith.addi %mul3A_39, %add3A_121 : i32
      %lt3A = arith.constant 50 : i32
      %lt3A_123 = arith.cmpi slt, %add3A_122, %lt3A : i32
      %convert_element_type3A_124 = arith.extui %lt3A_123 : i1 to i32
      %cond3A_125 = arith.constant 0 : i32
      %cond3A_126 = arith.cmpi ne, %convert_element_type3A_124, %cond3A_125 : i32
      scf.if %cond3A_126 {
        %dma_wait3A_155 = arith.constant 0 : i32
        %dma_wait3A_156 = arith.constant 0 : i32
        %dma_wait3A_157 = tpu.memref_slice %arg5[%dma_wait3A_155, %dma_wait3A_156] : memref<204800x300xf32, #tpu.memory_space<hbm>> -> memref<128x300xf32, #tpu.memory_space<hbm>>
        %dma_wait3A_158 = arith.constant 0 : i32
        %dma_wait3A_159 = arith.constant 0 : i32
        %dma_wait3A_160 = tpu.memref_slice %arg5[%dma_wait3A_158, %dma_wait3A_159] : memref<204800x300xf32, #tpu.memory_space<hbm>> -> memref<128x300xf32, #tpu.memory_space<hbm>>
        tpu.wait_dma2 semaphore(%arg13 : memref<!tpu.dma_semaphore, #tpu.memory_space<semaphore_mem>>) src(%arg7 : memref<128x300xf32, #tpu.memory_space<vmem>>) dst(%dma_wait3A_160 : memref<128x300xf32, #tpu.memory_space<hbm>>)
        %add3A_161 = arith.constant 2 : i32
        %add3A_162 = arith.addi %mul3A_39, %add3A_161 : i32
        %dma_start3A_163 = arith.constant 0 : i32
        %dma_start3A_164 = arith.constant 0 : i32
        %dma_start3A_165 = tpu.memref_slice %arg7[%dma_start3A_163, %dma_start3A_164] : memref<128x300xf32, #tpu.memory_space<vmem>> -> memref<128x256xf32, #tpu.memory_space<vmem>>
        %dma_start3A_166 = arith.constant 0 : i32
        %dma_start3A_167 = tpu.memref_slice %arg6[%add3A_162, %dma_start3A_166] : memref<50x128xi32, #tpu.memory_space<vmem>> -> memref<1x128xi32, #tpu.memory_space<vmem>>
        %dma_start3A_168 = tpu.memref_squeeze %dma_start3A_167 : memref<1x128xi32, #tpu.memory_space<vmem>> -> memref<128xi32, #tpu.memory_space<vmem>>
        %dma_start3A_169 = arith.constant 0 : i32
        %dma_start3A_170 = arith.constant 0 : i32
        %dma_start3A_171 = tpu.memref_slice %arg3[%dma_start3A_169, %dma_start3A_170] : memref<100000x300xf32, #tpu.memory_space<hbm>> -> memref<100000x256xf32, #tpu.memory_space<hbm>>
        %dma_start3A_172 = arith.constant 0 : i32
        %dma_start3A_173 = arith.constant 0 : i32
        %dma_start3A_174 = tpu.memref_slice %dma_start3A_171[%dma_start3A_172, %dma_start3A_173] : memref<100000x256xf32, #tpu.memory_space<hbm>> -> memref<100000x256xf32, #tpu.memory_space<hbm>>
        tpu.enqueue_indirect_dma source(%dma_start3A_174 : memref<100000x256xf32, #tpu.memory_space<hbm>>) target(%dma_start3A_165 : memref<128x256xf32, #tpu.memory_space<vmem>>) offsets(%dma_start3A_168 : memref<128xi32, #tpu.memory_space<vmem>>) semaphore(%arg10 : memref<!tpu.dma_semaphore, #tpu.memory_space<semaphore_mem>>)
      } else {
      }
      %iota3A_127 = tpu.iota {dimensions = array<i32: 0>} : vector<16xi32>
      %add3A_128 = arith.constant 284 : i32
      %add3A_129 = vector.broadcast %add3A_128 : i32 to vector<16xi32>
      %add3A_130 = arith.addi %add3A_129, %iota3A_127 : vector<16xi32>
      %ge3A_131 = arith.constant 288 : i32
      %ge3A_132 = vector.broadcast %ge3A_131 : i32 to vector<16xi32>
      %ge3A_133 = arith.cmpi sge, %add3A_130, %ge3A_132 : vector<16xi32>
      %scan3A_134 = arith.constant 0 : i32
      %scan3A_135 = arith.constant 128 : i32
      %scan3A_136 = arith.addi %scan3A_134, %scan3A_135 : i32
      %scan3A_137 = arith.constant 1 : i32
      scf.for %scan3A_155 = %scan3A_134 to %scan3A_136 step %scan3A_137  : i32 {
        %get3A = arith.index_cast %scan3A_155 : i32 to index
        %get3A_156 = arith.constant 84 : index
        %get3A_157 = tpu.vector_load %arg9[%get3A, %get3A_156] {strides = array<i32>} : memref<128x128xf32, #tpu.memory_space<vmem>>, vector<16xf32>,
        %swap3A = arith.index_cast %scan3A_155 : i32 to index
        %swap3A_158 = arith.constant 256 : index
        %swap3A_159 = tpu.vector_load %arg8[%swap3A, %swap3A_158] {strides = array<i32>} : memref<128x300xf32, #tpu.memory_space<vmem>>, vector<16xf32>,
        tpu.vector_store %arg8[%swap3A, %swap3A_158], %get3A_157 {strides = array<i32>} : memref<128x300xf32, #tpu.memory_space<vmem>>, vector<16xf32>,
        %get3A_160 = arith.index_cast %scan3A_155 : i32 to index
        %get3A_161 = arith.constant 100 : index
        %get3A_162 = tpu.vector_load %arg9[%get3A_160, %get3A_161] {strides = array<i32>} : memref<128x128xf32, #tpu.memory_space<vmem>>, vector<16xf32>,
        %swap3A_163 = arith.index_cast %scan3A_155 : i32 to index
        %swap3A_164 = arith.constant 272 : index
        %swap3A_165 = tpu.vector_load %arg8[%swap3A_163, %swap3A_164] {strides = array<i32>} : memref<128x300xf32, #tpu.memory_space<vmem>>, vector<16xf32>,
        tpu.vector_store %arg8[%swap3A_163, %swap3A_164], %get3A_162 {strides = array<i32>} : memref<128x300xf32, #tpu.memory_space<vmem>>, vector<16xf32>,
        %get3A_166 = arith.index_cast %scan3A_155 : i32 to index
        %get3A_167 = arith.constant 112 : index
        %get3A_168 = tpu.vector_load %arg9[%get3A_166, %get3A_167] {strides = array<i32>} : memref<128x128xf32, #tpu.memory_space<vmem>>, vector<16xf32>,
        %broadcast_in_dim3A = vector.broadcast %scan3A_155 : i32 to vector<16xi32>
        tpu.vector_store_idx %arg8[%broadcast_in_dim3A, %add3A_130], %get3A_168 masked %ge3A_133 : memref<128x300xf32, #tpu.memory_space<vmem>>[vector<16xi32>, vector<16xi32>], vector<16xf32>, vector<16xi1>
      }
      %scan3A_138 = arith.constant 128 : i32
      %add3A_139 = arith.constant 2 : i32
      %add3A_140 = arith.addi %mul3A_39, %add3A_139 : i32
      %lt3A_141 = arith.constant 50 : i32
      %lt3A_142 = arith.cmpi slt, %add3A_140, %lt3A_141 : i32
      %convert_element_type3A_143 = arith.extui %lt3A_142 : i1 to i32
      %cond3A_144 = arith.constant 0 : i32
      %cond3A_145 = arith.cmpi ne, %convert_element_type3A_143, %cond3A_144 : i32
      scf.if %cond3A_145 {
        %add3A_155 = arith.constant 2 : i32
        %add3A_156 = arith.addi %mul3A_39, %add3A_155 : i32
        %dma_start3A_157 = arith.constant 0 : i32
        %dma_start3A_158 = tpu.memref_slice %arg6[%add3A_156, %dma_start3A_157] : memref<50x128xi32, #tpu.memory_space<vmem>> -> memref<1x128xi32, #tpu.memory_space<vmem>>
        %dma_start3A_159 = tpu.memref_squeeze %dma_start3A_158 : memref<1x128xi32, #tpu.memory_space<vmem>> -> memref<128xi32, #tpu.memory_space<vmem>>
        %dma_start3A_160 = arith.constant 0 : i32
        %dma_start3A_161 = arith.constant 0 : i32
        %dma_start3A_162 = tpu.memref_slice %arg4[%dma_start3A_160, %dma_start3A_161] : memref<100000x128xf32, #tpu.memory_space<hbm>> -> memref<100000x128xf32, #tpu.memory_space<hbm>>
        tpu.enqueue_indirect_dma source(%dma_start3A_162 : memref<100000x128xf32, #tpu.memory_space<hbm>>) target(%arg9 : memref<128x128xf32, #tpu.memory_space<vmem>>) offsets(%dma_start3A_159 : memref<128xi32, #tpu.memory_space<vmem>>) semaphore(%arg12 : memref<!tpu.dma_semaphore, #tpu.memory_space<semaphore_mem>>)
      } else {
      }
      %add3A_146 = arith.addi %mul3A_2, %mul3A_39 : i32
      %add3A_147 = arith.constant 1 : i32
      %add3A_148 = arith.addi %add3A_146, %add3A_147 : i32
      %mul3A_149 = arith.constant 128 : i32
      %mul3A_150 = arith.muli %add3A_148, %mul3A_149 : i32
      %dma_start3A_151 = arith.constant 0 : i32
      %dma_start3A_152 = tpu.memref_slice %arg5[%mul3A_150, %dma_start3A_151] : memref<204800x300xf32, #tpu.memory_space<hbm>> -> memref<128x300xf32, #tpu.memory_space<hbm>>
      %dma_start3A_153 = arith.constant 0 : i32
      %dma_start3A_154 = tpu.memref_slice %arg5[%mul3A_150, %dma_start3A_153] : memref<204800x300xf32, #tpu.memory_space<hbm>> -> memref<128x300xf32, #tpu.memory_space<hbm>>
      tpu.enqueue_dma source(%arg8 : memref<128x300xf32, #tpu.memory_space<vmem>>) target(%dma_start3A_154 : memref<128x300xf32, #tpu.memory_space<hbm>>) target_semaphore(%arg14 : memref<!tpu.dma_semaphore, #tpu.memory_space<semaphore_mem>>)
    }
    %scan3A_25 = arith.constant 25 : i32
    %dma_wait3A = arith.constant 0 : i32
    %dma_wait3A_26 = arith.constant 0 : i32
    %dma_wait3A_27 = tpu.memref_slice %arg5[%dma_wait3A, %dma_wait3A_26] : memref<204800x300xf32, #tpu.memory_space<hbm>> -> memref<128x300xf32, #tpu.memory_space<hbm>>
    %dma_wait3A_28 = arith.constant 0 : i32
    %dma_wait3A_29 = arith.constant 0 : i32
    %dma_wait3A_30 = tpu.memref_slice %arg5[%dma_wait3A_28, %dma_wait3A_29] : memref<204800x300xf32, #tpu.memory_space<hbm>> -> memref<128x300xf32, #tpu.memory_space<hbm>>
    tpu.wait_dma2 semaphore(%arg13 : memref<!tpu.dma_semaphore, #tpu.memory_space<semaphore_mem>>) src(%arg7 : memref<128x300xf32, #tpu.memory_space<vmem>>) dst(%dma_wait3A_30 : memref<128x300xf32, #tpu.memory_space<hbm>>)
    %dma_wait3A_31 = arith.constant 0 : i32
    %dma_wait3A_32 = arith.constant 0 : i32
    %dma_wait3A_33 = tpu.memref_slice %arg5[%dma_wait3A_31, %dma_wait3A_32] : memref<204800x300xf32, #tpu.memory_space<hbm>> -> memref<128x300xf32, #tpu.memory_space<hbm>>
    %dma_wait3A_34 = arith.constant 0 : i32
    %dma_wait3A_35 = arith.constant 0 : i32
    %dma_wait3A_36 = tpu.memref_slice %arg5[%dma_wait3A_34, %dma_wait3A_35] : memref<204800x300xf32, #tpu.memory_space<hbm>> -> memref<128x300xf32, #tpu.memory_space<hbm>>
    tpu.wait_dma2 semaphore(%arg14 : memref<!tpu.dma_semaphore, #tpu.memory_space<semaphore_mem>>) src(%arg8 : memref<128x300xf32, #tpu.memory_space<vmem>>) dst(%dma_wait3A_36 : memref<128x300xf32, #tpu.memory_space<hbm>>)
    return
  }
}

</mosaic_0001>

<sc_bundles>
// kernel: kernel.3.cloned.1.call-start
scs
__scs_entry_jumppad:
0x0: {  	(pc) =	sbr.rel $0x88, $3  }
0x1: {  	(tag) =	ssettag $0x0;
	lr =	simm.s32 $0x1  }
0x2: {  	[smem:$0x3F9F] =	sst lr;
	_ =	strace $0xD0000000  }
0x3: {  	_ = 	snop  }
0x4: {  	_ = 	snop  }
0x5: {  	_ = 	snop  }
0x6: {  	_ = 	snop  }
0x7: {  	_ = 	snop  }
__scs_overlays_trampoline_lowered:
0x8: {  	[smem:$0x3FAE] =	sst s0  }
0x9: {  	[smem:$0x3FAF] =	sst s1  }
0xa: {  	[smem:$0x3FB0] =	sst s2  }
0xb: {  	[smem:$0x3FB1] =	sst s3  }
0xc: {  	[smem:$0x3FB2] =	sst s4  }
0xd: {  	[smem:$0x3FB3] =	sst s5  }
0xe: {  	[smem:$0x3FB4] =	sst s6  }
0xf: {  	[smem:$0x3FB5] =	sst s7  }
0x10: {  	[smem:$0x3FB6] =	sst s8  }
0x11: {  	[smem:$0x3FB7] =	sst s9;
	s0 =	simm.s32 @!p0 $0x0  }
0x12: {  	s1 =	sld [smem:$0x3F9D];
	s0 =	simm.s32 @p0 $0x1  }
0x13: {  	[smem:$0x3FB8] =	sst s0;
	s0 =	simm.s32 @!p1 $0x0  }
0x14: {  	s2 =	sld [smem:$0x3F9C];
	s0 =	simm.s32 @p1 $0x1  }
0x15: {  	[smem:$0x3FB9] =	sst s0;
	s0 =	simm.s32 @!p2 $0x0  }
0x16: {  	s3 =	sld [smem:$0x3FDB];
	s0 =	simm.s32 @p2 $0x1  }
0x17: {  	s4 =	simm.s32 $0x1BF5;
	[smem:$0x3FBB] =	sst s0  }
0x18: {  	s0 =	sld [smem:$0x3F9E];
	_ =	swait.ge [sflag:s4], $0x0  }
0x19: {  	s7 =	sld [smem:$0x3F9F]  }
0x1a: {  	s8 =	sadd.s32 $0xFFFFE003, lr  }
0x1b: {  	s9 =	sadd.s32 $0xFFFFFEF7, lr;
	s5 =	simm.s32 $0xFFFFFFFF;
	p2 =	slt.u32 s8, $0xFFFFF086  }
0x1c: {  	p1 =	slt.u32 s9, $0xF7A;
	s5 =	simm.s32 @!p2 $0x0  }
0x1d: {  	s5 =	simm.s32 @p1 $0x1;
	p0 =	seq.s32 s7, s2  }
0x1e: {  	s7 =	smul.u32 @!p0 $0xF7A, s2;
	p2 =	seq.s32 @!p0 s5, $0x0  }
0x1f: {  	s9 =	smul.u32 $0xF7A, s1;
	s8 =	simm.s32 @!p0 $0x1BF5;
	p2 =	por !p2, p0  }
0x20: {  	[sflag:s8] =	ssyncset.s32 @!p0 $0xFFFFF086;
	s6 =	sadd.s32 @!p0 s3, s7;
	s7 =	simm.s32 @!p0 $0x108  }
0x21: {  	s3 =	sadd.s32 s3, s9;
	s6 =	sadd.s32 @!p0 $0x88, s6;
	s7 =	simm.s32 @p2 $0x1082  }
0x22: {  	[simem:s7], [sflag:s8] =	dma.local @!p0 [hbm:s6], $0xF7A  }
0x23: {  	s9 =	sor.u32 $0xD0000000, s2;
	s6 =	simm.s32 $0x108;
	_ =	swait.ge @!p0 [sflag:s8], $0x0  }
0x24: {  	s3 =	sadd.s32 $0x88, s3;
	s6 =	simm.s32 @!p1 $0x1082;
	[sflag:s4] =	ssyncset.s32 $0xFFFFF086  }
0x25: {  	[simem:s6], [sflag:s4] =	dma.local [hbm:s3], $0xF7A  }
0x26: {  	[smem:$0x3F9F] =	sst s1;
	(tag) =	ssettag s2;
	_ =	strace s9  }
0x27: {  	s1 =	sld [smem:$0x3FAF]  }
0x28: {  	s2 =	sld [smem:$0x3FB0]  }
0x29: {  	s4 =	sld [smem:$0x3FB2]  }
0x2a: {  	p0 =	seq.s32 s5, $0x0;
	s5 =	sld [smem:$0x3FB3]  }
0x2b: {  	s6 =	sld [smem:$0x3FB4]  }
0x2c: {  	s7 =	sld [smem:$0x3FB5]  }
0x2d: {  	s3 =	simm.s32 $0x108;
	s8 =	sld [smem:$0x3FB6]  }
0x2e: {  	s3 =	simm.s32 @!p0 $0x1082;
	s9 =	sld [smem:$0x3FB7]  }
0x2f: {  	lr =	sadd.s32 s0, s3;
	s0 =	sld [smem:$0x3FAE]  }
0x30: {  	s3 =	sld [smem:$0x3FB1]  }
0x31: {  	[smem:$0x3FBA] =	sst s10  }
0x32: {  	s10 =	sld [smem:$0x3FB8];
	_ =	sdelay $0x3  }
0x33: {  	p0 =	seq.s32 s10, $0x1;
	s10 =	sld [smem:$0x3FBA];
	_ =	sdelay $0x3  }
0x34: {  	[smem:$0x3FBA] =	sst s10  }
0x35: {  	s10 =	sld [smem:$0x3FB9];
	_ =	sdelay $0x3  }
0x36: {  	p1 =	seq.s32 s10, $0x1;
	s10 =	sld [smem:$0x3FBA];
	_ =	sdelay $0x3  }
0x37: {  	[smem:$0x3FBA] =	sst s10  }
0x38: {  	s10 =	sld [smem:$0x3FBB]  }
0x39: {  	_ = 	snop;
	(pc) =	sbr.ind lr, $3  }
0x3a: {  	_ = 	snop  }
0x3b: {  	_ = 	snop  }
0x3c: {  	p2 =	seq.s32 s10, $0x1;
	s10 =	sld [smem:$0x3FBA]  }
0x3d: {  	_ =	shalt  }
0x3e: {  	_ =	shalt  }
0x3f: {  	_ =	shalt  }
0x40: {  	_ =	shalt  }
0x41: {  	_ =	shalt  }
0x42: {  	_ =	shalt  }
0x43: {  	_ =	shalt  }
0x44: {  	_ =	shalt  }
0x45: {  	_ =	shalt  }
0x46: {  	_ =	shalt  }
0x47: {  	_ =	shalt  }
0x48: {  	_ =	shalt  }
0x49: {  	_ =	shalt  }
0x4a: {  	_ =	shalt  }
0x4b: {  	_ =	shalt  }
0x4c: {  	_ =	shalt  }
0x4d: {  	_ =	shalt  }
0x4e: {  	_ =	shalt  }
0x4f: {  	_ =	shalt  }
0x50: {  	_ =	shalt  }
0x51: {  	_ =	shalt  }
0x52: {  	_ =	shalt  }
0x53: {  	_ =	shalt  }
0x54: {  	_ =	shalt  }
0x55: {  	_ =	shalt  }
0x56: {  	_ =	shalt  }
0x57: {  	_ =	shalt  }
0x58: {  	_ =	shalt  }
0x59: {  	_ =	shalt  }
0x5a: {  	_ =	shalt  }
0x5b: {  	_ =	shalt  }
0x5c: {  	_ =	shalt  }
0x5d: {  	_ =	shalt  }
0x5e: {  	_ =	shalt  }
0x5f: {  	_ =	shalt  }
0x60: {  	_ =	shalt  }
0x61: {  	_ =	shalt  }
0x62: {  	_ =	shalt  }
0x63: {  	_ =	shalt  }
0x64: {  	_ =	shalt  }
0x65: {  	_ =	shalt  }
0x66: {  	_ =	shalt  }
0x67: {  	_ =	shalt  }
0x68: {  	_ =	shalt  }
0x69: {  	_ =	shalt  }
0x6a: {  	_ =	shalt  }
0x6b: {  	_ =	shalt  }
0x6c: {  	_ =	shalt  }
0x6d: {  	_ =	shalt  }
0x6e: {  	_ =	shalt  }
0x6f: {  	_ =	shalt  }
0x70: {  	_ =	shalt  }
0x71: {  	_ =	shalt  }
0x72: {  	_ =	shalt  }
0x73: {  	_ =	shalt  }
0x74: {  	_ =	shalt  }
0x75: {  	_ =	shalt  }
0x76: {  	_ =	shalt  }
0x77: {  	_ =	shalt  }
0x78: {  	_ =	shalt  }
0x79: {  	_ =	shalt  }
0x7a: {  	_ =	shalt  }
0x7b: {  	_ =	shalt  }
0x7c: {  	_ =	shalt  }
0x7d: {  	_ =	shalt  }
0x7e: {  	_ =	shalt  }
0x7f: {  	_ =	shalt  }
0x80: {  	_ =	shalt  }
0x81: {  	_ =	shalt  }
0x82: {  	_ =	shalt  }
0x83: {  	_ =	shalt  }
0x84: {  	_ =	shalt  }
0x85: {  	_ =	shalt  }
0x86: {  	_ =	shalt  }
0x87: {  	_ =	shalt  }
.Lfunc_end0:
.L_simem_size_0:
called_computation.1_lowered:
.L_overlay_start_0:
0x88: {  	s2 =	sld [smem:$0x3FD9]  }
0x89: {  	s3 =	sld [smem:$0x3FFE];
	_ =	sdelay $0x1  }
0x8a: {  	s1 =	srdreg.scid  }
0x8b: {  	s0 =	sand.u32 $0x1, s1  }
0x8c: {  	s17 =	sshll.u32 s0, $0xA;
	s2 =	sadd.s32 s3, s2  }
0x8d: {  	s2 =	sadd.s32 s2, s17  }
0x8e: {  	[smem:$0x3FC6] =	sst s2  }
0x8f: {  	_ = 	snop  }
0x90: {  	s2 =	sld [smem:$0x3FD0];
	(tm) =	ssettm $0x1  }
0x91: {  	s18 =	sld [smem:$0x3FFB];
	_ =	sdelay $0x3  }
0x92: {  	_ =	strace s18  }
0x93: {  	s3 =	sld [smem:$0x3FFC];
	_ =	sdelay $0x3  }
0x94: {  	_ =	strace s3  }
0x95: {  	s3 =	sld [smem:$0x3FFD];
	_ =	sdelay $0x3  }
0x96: {  	_ =	strace s3  }
0x97: {  	_ =	strace $0x8FFFFFFF  }
0x98: {  	s19 =	sld [smem:$0x3FDB];
	_ =	sdelay $0x1  }
0x99: {  	s4 =	simm.s32 $_scs_section_size  }
0x9a: {  	s5 =	simm.s32 $_size__tile_overlayer_lowered;
	s6 =	simm.s32 $_tile_overlayer_lowered  }
0x9b: {  	s22 =	simm.s32 $0x1BFF;
	s21 =	sshll.u32 s6, $0x1;
	s3 =	sadd.s32 s4, s19  }
0x9c: {  	s7 =	simm.s32 $0x0;
	s20 =	sshll.u32 s5, $0x1;
	s5 =	sadd.s32 s21, s3  }
0x9d: {  	[timem:s7], [sflag:s22] =	dma.local [hbm:s5], s20  }
0x9e: {  	_ =	swait.ge [sflag:s22], s20  }
0x9f: {  	s4 =	ssub.s32 $0x0, s20;
	[sflag:s22] =	ssyncset.done $0x0  }
0xa0: {  	[sflag:s22] =	ssyncadd.s32 s4;
	_ =	sdelay $0x1  }
0xa1: {  	s23 =	simm.s32 $0x1B8B  }
0xa2: {  	_ =	swait.ge [sflag:s23], $0x1  }
0xa3: {  	[sflag:s23] =	ssyncset.done $0x0  }
0xa4: {  	s25 =	simm.s32 $0x1B8E;
	s24 =	sld [smem:$0x3FFE];
	[sflag:s23] =	ssyncadd.s32 $0xFFFFFFFF  }
0xa5: {  	s26 =	simm.s32 $execute0_lowered;
	[smem:$0x3FD2] =	sst s25  }
0xa6: {  	s5 =	sshll.u32 s26, $0x1;
	_ =	strace $0x80000046;
	[dreg:$0x1] =	wrdreg $0xFFFFFFFF  }
0xa7: {  	s28 =	simm.s32 $_size_execute0_lowered;
	s3 =	sadd.s32 s3, s5;
	[dreg:$0x0] =	wrdreg $0x0  }
0xa8: {  	s5 =	sshll.u32 s28, $0x1;
	[dreg:$0x2] =	wrdreg s3  }
0xa9: {  	[dreg:$0x3] =	wrdreg s5  }
0xaa: {  	[dreg:$0x4] =	wrdreg $0xC0  }
0xab: {  	_ =	task [dreg:s7], $0x5FFFF  }
0xac: {  	[dreg:$0x1] =	wrdreg $0xFFFFFFFF  }
0xad: {  	[dreg:$0x0] =	wrdreg $0x60  }
0xae: {  	[dreg:$0x2] =	wrdreg s24  }
0xaf: {  	[dreg:$0x3] =	wrdreg s2  }
0xb0: {  	[dreg:$0x4] =	wrdreg $0x9  }
0xb1: {  	_ =	task.clear_ibuf [dreg:s7], $0x5FFFF;
	_ =	strace $0x90000046  }
0xb2: {  	s29 =	simm.s32 $0x9;
	_ =	strace $0x80000048  }
0xb3: {  	_ =	swait.ge [sflag:s29], $0x1  }
0xb4: {  	[sflag:s29] =	ssyncadd.s32 $0xFFFFFFFF  }
0xb5: {  	_ =	strace $0x90000048  }
0xb6: {  	_ =	sfence  }
0xb7: {  	s30 =	sld [smem:$0x0];
	_ =	sdelay $0x2  }
0xb8: {  	s31 =	sshll.u32 s1, $0xD;
	s1 =	sshrl.u32 s1, $0x2  }
0xb9: {  	s3 =	sand.u32 $0x4000, s31;
	s1 =	sadd.s32 s1, s30  }
0xba: {  	s0 =	sor.u32 s3, s0;
	s1 =	sshll.u32 s1, $0x11  }
0xbb: {  	s0 =	sor.u32 s1, s0  }
0xbc: {  	s0 =	sadd.s32 $0x8F2B, s0  }
0xbd: {  	[sflag:s0] =	ssyncadd.remote.s32 $0x1  }
0xbe: {  	_ =	sfence.sel $0xFFFF  }
0xbf: {  	[dreg:$0x0] =	wrdreg $0xFFFFFFFF;
	(pc) =	sbr.abs _section_cstart, $3  }
0xc0: {  	[dreg:$0x1] =	wrdreg $0xFFFFFFFF  }
0xc1: {  	_ =	task.clear_ibuf [dreg:s7], $0x2FFFF;
	_ =	strace $0x9FFFFFFF  }
0xc2: {  	(tm) =	ssettm $0x7FFFFFFF  }
0xc3: {  	_ =	shalt  }
tec
execute0_lowered:
.L_overlay_start_1:
0x0: {  	(tag) =	ssettag $0x1  }
0x1: {  	s0 =	srdreg.scid  }
0x2: {  	s2 =	stileid.u32;
	s1 =	rddreg [dreg:$0x0];
	s10 =	simm.s32 $0x1C00  }
0x3: {  	s28 =	simm.s32 $0x19C00;
	s29 =	simm.s32 $0x1;
	s30 =	simm.s32 $0x3  }
0x4: {  	s31 =	simm.s32 $0xDC00;
	s12 =	simm.s32 $0x13000;
	s13 =	simm.s32 $0x13C00  }
0x5: {  	s14 =	simm.s32 $0x14800;
	s15 =	simm.s32 $0x15400;
	s16 =	simm.s32 $0x16000  }
0x6: {  	s17 =	simm.s32 $0x16C00;
	s18 =	simm.s32 $0x17800;
	s19 =	simm.s32 $0x18400  }
0x7: {  	s20 =	simm.s32 $0x19000;
	s21 =	simm.s32 $0x2;
	s22 =	simm.s32 $0x4  }
0x8: {  	s0 =	sand.u32 $0x1, s0;
	s3 =	sshll.u32 s2, $0x1;
	s2 =	rddreg [dreg:$0x1]  }
0x9: {  	s5 =	sadd.s32 $0x18E200, s1;
	s6 =	sor.u32 s0, s3;
	s0 =	ssub.s32 $0x2, s0  }
0xa: {  	s3 =	simm.s32 $0x0;
	s4 =	smul.u32 $0x380, s6;
	s25 =	sshrl.u32 s0, $0x1  }
0xb: {  	[smem:$0x7FF] =	sst s3;
	s6 =	smul.u32 $0x32, s6;
	s0 =	ssub.s32 s0, s25  }
0xc: {  	v3 =	vlaneseq.u32;
	vm0 =	vmmov $0xffff;
	_ =	strace $0x80000047;
	s7 =	sadd.s32 s4, s1;
	s0 =	smax.u32 s0, $0x1  }
0xd: {  	vm1 =	vcmask $0x3F10;
	v1 =	vshrl.u32 v3, $0x3;
	v0 =	vand.u32 $0x7, v3;
	s4 =	sadd.s32 $0x7800, s1;
	s26 =	sadd.s32 $0x800, s7;
	[dreg:$0x4] =	wrdreg s0  }
0xe: {  	v2 =	vor.u32 $0x8, v3;
	v3 =	vadd.s32 $0x1C, v3;
	v1 =	vmul.u32 $0x8, v1;
	s7 =	simm.s32 $0x0;
	[dreg:$0x3] =	wrdreg s26;
	s26 =	simm.s32 $0x80  }
.LBB2_1:
0xf: {  	[dreg:$0x5] =	wrdreg s7  }
0x10: {  	s0 =	rddreg [dreg:$0x3];
	s1 =	simm.s32 $0x6  }
0x11: {  	[tilespmem:s3], [sflag:$0x6] =	stream.linear.gather [hbm4b:s0+s3], $0x1900, $0x38;
	[tilespmem:$0x1DC00] =	vst v63  }
0x12: {  	_ =	swait.ge [sflag:s1], $0x1900  }
0x13: {  	[sflag:s1] =	ssyncset.done $0x0  }
0x14: {  	[sflag:s1] =	ssyncadd.s32 $0xFFFFE700  }
0x15: {  	v4 =	vld [tilespmem:$0x0];
	_ =	sdelay $0x4  }
0x16: {  	v5 =	vshrl.u32 v4, $0x3  }
0x17: {  	v5 =	vmul.u32 $0x18, v5  }
0x18: {  	v4 =	vand.u32 $0x7, v4  }
0x19: {  	v4 =	vor.u32 v4, v5  }
0x1a: {  	v5 =	vperm.xlane v4, v0;
	_ =	sdelay $0x1  }
0x1b: {  	v4 =	vperm.xlane v4, v2;
	v5 =	vadd.s32 v1, v5;
	_ =	sdelay $0x1  }
0x1c: {  	v4 =	vadd.s32 v1, v4;
	_ =	sdelay $0x2  }
0x1d: {  	[tilespmem:s10], [sflag:$0x1] =	stream.indirect_vreg.gather [hbm4b:s2+s3], $0x80, v5, vm0, $0xb8;
	[tilespmem:$0x1DC00] =	vst v63  }
0x1e: {  	s7 =	simm.s32 $0x2800  }
0x1f: {  	[tilespmem:s7], [sflag:$0x1] =	stream.indirect_vreg.gather [hbm4b:s2+s3], $0x80, v4, vm0, $0xb8;
	[tilespmem:$0x1DC00] =	vst v63  }
0x20: {  	v4 =	vld [tilespmem:$0x10];
	_ =	sdelay $0x4  }
0x21: {  	v5 =	vshrl.u32 v4, $0x3  }
0x22: {  	v5 =	vmul.u32 $0x18, v5  }
0x23: {  	v4 =	vand.u32 $0x7, v4  }
0x24: {  	v4 =	vor.u32 v4, v5  }
0x25: {  	v5 =	vperm.xlane v4, v0;
	_ =	sdelay $0x1  }
0x26: {  	v4 =	vperm.xlane v4, v2;
	v5 =	vadd.s32 v1, v5;
	_ =	sdelay $0x1  }
0x27: {  	v4 =	vadd.s32 v1, v4;
	_ =	sdelay $0x1  }
0x28: {  	s8 =	simm.s32 $0x3400  }
0x29: {  	[tilespmem:s8], [sflag:$0x1] =	stream.indirect_vreg.gather [hbm4b:s2+s3], $0x80, v5, vm0, $0xb8;
	[tilespmem:$0x1DC00] =	vst v63  }
0x2a: {  	s9 =	simm.s32 $0x4000  }
0x2b: {  	[tilespmem:s9], [sflag:$0x1] =	stream.indirect_vreg.gather [hbm4b:s2+s3], $0x80, v4, vm0, $0xb8;
	[tilespmem:$0x1DC00] =	vst v63  }
0x2c: {  	v4 =	vld [tilespmem:$0x20];
	_ =	sdelay $0x4  }
0x2d: {  	v5 =	vshrl.u32 v4, $0x3  }
0x2e: {  	v5 =	vmul.u32 $0x18, v5  }
0x2f: {  	v4 =	vand.u32 $0x7, v4  }
0x30: {  	v4 =	vor.u32 v4, v5  }
0x31: {  	v5 =	vperm.xlane v4, v0;
	_ =	sdelay $0x1  }
0x32: {  	v4 =	vperm.xlane v4, v2;
	v5 =	vadd.s32 v1, v5;
	_ =	sdelay $0x1  }
0x33: {  	v4 =	vadd.s32 v1, v4;
	_ =	sdelay $0x1  }
0x34: {  	s11 =	simm.s32 $0x4C00  }
0x35: {  	[tilespmem:s11], [sflag:$0x1] =	stream.indirect_vreg.gather [hbm4b:s2+s3], $0x80, v5, vm0, $0xb8;
	[tilespmem:$0x1DC00] =	vst v63  }
0x36: {  	s23 =	simm.s32 $0x5800  }
0x37: {  	[tilespmem:s23], [sflag:$0x1] =	stream.indirect_vreg.gather [hbm4b:s2+s3], $0x80, v4, vm0, $0xb8;
	[tilespmem:$0x1DC00] =	vst v63  }
0x38: {  	v4 =	vld [tilespmem:$0x30];
	_ =	sdelay $0x4  }
0x39: {  	v5 =	vshrl.u32 v4, $0x3  }
0x3a: {  	v5 =	vmul.u32 $0x18, v5  }
0x3b: {  	v4 =	vand.u32 $0x7, v4  }
0x3c: {  	v4 =	vor.u32 v4, v5  }
0x3d: {  	v5 =	vperm.xlane v4, v0;
	_ =	sdelay $0x1  }
0x3e: {  	v4 =	vperm.xlane v4, v2;
	v5 =	vadd.s32 v1, v5;
	_ =	sdelay $0x1  }
0x3f: {  	v4 =	vadd.s32 v1, v4;
	_ =	sdelay $0x1  }
0x40: {  	s24 =	simm.s32 $0x6400  }
0x41: {  	[tilespmem:s24], [sflag:$0x1] =	stream.indirect_vreg.gather [hbm4b:s2+s3], $0x80, v5, vm0, $0xb8;
	[tilespmem:$0x1DC00] =	vst v63  }
0x42: {  	s25 =	simm.s32 $0x7000  }
0x43: {  	[tilespmem:s25], [sflag:$0x1] =	stream.indirect_vreg.gather [hbm4b:s2+s3], $0x80, v4, vm0, $0xb8;
	[tilespmem:$0x1DC00] =	vst v63  }
0x44: {  	v4 =	vld [tilespmem:$0x40];
	_ =	sdelay $0x4  }
0x45: {  	v5 =	vshrl.u32 v4, $0x3  }
0x46: {  	v5 =	vmul.u32 $0x18, v5  }
0x47: {  	v4 =	vand.u32 $0x7, v4  }
0x48: {  	v4 =	vor.u32 v4, v5  }
0x49: {  	v5 =	vperm.xlane v4, v0;
	_ =	sdelay $0x1  }
0x4a: {  	v4 =	vperm.xlane v4, v2;
	v5 =	vadd.s32 v1, v5;
	_ =	sdelay $0x1  }
0x4b: {  	v4 =	vadd.s32 v1, v4;
	_ =	sdelay $0x1  }
0x4c: {  	s1 =	simm.s32 $0x7C00  }
0x4d: {  	[tilespmem:s1], [sflag:$0x1] =	stream.indirect_vreg.gather [hbm4b:s2+s3], $0x80, v5, vm0, $0xb8;
	[tilespmem:$0x1DC00] =	vst v63  }
0x4e: {  	s7 =	simm.s32 $0x8800  }
0x4f: {  	[tilespmem:s7], [sflag:$0x1] =	stream.indirect_vreg.gather [hbm4b:s2+s3], $0x80, v4, vm0, $0xb8;
	[tilespmem:$0x1DC00] =	vst v63  }
0x50: {  	v4 =	vld [tilespmem:$0x50];
	_ =	sdelay $0x4  }
0x51: {  	v5 =	vshrl.u32 v4, $0x3  }
0x52: {  	v5 =	vmul.u32 $0x18, v5  }
0x53: {  	v4 =	vand.u32 $0x7, v4  }
0x54: {  	v4 =	vor.u32 v4, v5  }
0x55: {  	v5 =	vperm.xlane v4, v0;
	_ =	sdelay $0x1  }
0x56: {  	v4 =	vperm.xlane v4, v2;
	v5 =	vadd.s32 v1, v5;
	_ =	sdelay $0x1  }
0x57: {  	v4 =	vadd.s32 v1, v4;
	_ =	sdelay $0x1  }
0x58: {  	s8 =	simm.s32 $0x9400  }
0x59: {  	[tilespmem:s8], [sflag:$0x1] =	stream.indirect_vreg.gather [hbm4b:s2+s3], $0x80, v5, vm0, $0xb8;
	[tilespmem:$0x1DC00] =	vst v63  }
0x5a: {  	s9 =	simm.s32 $0xA000  }
0x5b: {  	[tilespmem:s9], [sflag:$0x1] =	stream.indirect_vreg.gather [hbm4b:s2+s3], $0x80, v4, vm0, $0xb8;
	[tilespmem:$0x1DC00] =	vst v63  }
0x5c: {  	v4 =	vld [tilespmem:$0x60];
	_ =	sdelay $0x4  }
0x5d: {  	v5 =	vshrl.u32 v4, $0x3  }
0x5e: {  	v5 =	vmul.u32 $0x18, v5  }
0x5f: {  	v4 =	vand.u32 $0x7, v4  }
0x60: {  	v4 =	vor.u32 v4, v5  }
0x61: {  	v5 =	vperm.xlane v4, v0;
	_ =	sdelay $0x1  }
0x62: {  	v4 =	vperm.xlane v4, v2;
	v5 =	vadd.s32 v1, v5;
	_ =	sdelay $0x1  }
0x63: {  	v4 =	vadd.s32 v1, v4;
	_ =	sdelay $0x1  }
0x64: {  	s11 =	simm.s32 $0xAC00  }
0x65: {  	[tilespmem:s11], [sflag:$0x1] =	stream.indirect_vreg.gather [hbm4b:s2+s3], $0x80, v5, vm0, $0xb8;
	[tilespmem:$0x1DC00] =	vst v63  }
0x66: {  	s23 =	simm.s32 $0xB800  }
0x67: {  	[tilespmem:s23], [sflag:$0x1] =	stream.indirect_vreg.gather [hbm4b:s2+s3], $0x80, v4, vm0, $0xb8;
	[tilespmem:$0x1DC00] =	vst v63  }
0x68: {  	v4 =	vld [tilespmem:$0x70];
	_ =	sdelay $0x4  }
0x69: {  	v5 =	vshrl.u32 v4, $0x3  }
0x6a: {  	v5 =	vmul.u32 $0x18, v5  }
0x6b: {  	v4 =	vand.u32 $0x7, v4  }
0x6c: {  	v4 =	vor.u32 v4, v5  }
0x6d: {  	v5 =	vperm.xlane v4, v0;
	_ =	sdelay $0x1  }
0x6e: {  	v4 =	vperm.xlane v4, v2;
	v5 =	vadd.s32 v1, v5;
	_ =	sdelay $0x1  }
0x6f: {  	v4 =	vadd.s32 v1, v4;
	_ =	sdelay $0x1  }
0x70: {  	s24 =	simm.s32 $0xC400  }
0x71: {  	[tilespmem:s24], [sflag:$0x1] =	stream.indirect_vreg.gather [hbm4b:s2+s3], $0x80, v5, vm0, $0xb8;
	[tilespmem:$0x1DC00] =	vst v63  }
0x72: {  	s25 =	simm.s32 $0xD000  }
0x73: {  	[tilespmem:s25], [sflag:$0x1] =	stream.indirect_vreg.gather [hbm4b:s2+s3], $0x80, v4, vm0, $0xb8;
	[tilespmem:$0x1DC00] =	vst v63  }
0x74: {  	s23 =	simm.s32 $0x0  }
0x75: {  	[tilespmem:s28], [sflag:$0x3] =	stream.indirect.gather [hbm4b:s4+s26], $0x80, s3, s26, $0xb8;
	[tilespmem:$0x1DC00] =	vst v63  }
.LBB2_2:
0x76: {  	_ =	swait.ge [sflag:s29], $0x8000  }
0x77: {  	[sflag:s29] =	ssyncset.done $0x0  }
0x78: {  	[sflag:s29] =	ssyncadd.s32 $0xFFFF8000  }
0x79: {  	_ =	swait.ge [sflag:s30], $0x4000  }
0x7a: {  	p0 =	seq.s32 s23, $0x0;
	[sflag:s30] =	ssyncset.done $0x0  }
0x7b: {  	s0 =	simm.s32 @!p0 $0x5;
	[sflag:s30] =	ssyncadd.s32 $0xFFFFC000  }
0x7c: {  	_ =	swait.ge @!p0 [sflag:s0], $0xC000  }
0x7d: {  	s1 =	sshll.u32 s23, $0x8;
	[sflag:s0] =	ssyncset.done @!p0 $0x0  }
0x7e: {  	s25 =	sand.u32 $0x3FFFFF00, s1;
	[sflag:s0] =	ssyncadd.s32 @!p0 $0xFFFF4000  }
0x7f: {  	v4 =	vld [tilespmem:s25+$0x80];
	_ =	sdelay $0x4  }
0x80: {  	v5 =	vshrl.u32 v4, $0x3  }
0x81: {  	v5 =	vmul.u32 $0x18, v5  }
0x82: {  	v4 =	vand.u32 $0x7, v4  }
0x83: {  	v4 =	vor.u32 v4, v5  }
0x84: {  	v5 =	vperm.xlane v4, v0;
	_ =	sdelay $0x1  }
0x85: {  	v4 =	vperm.xlane v4, v2;
	v5 =	vadd.s32 v1, v5;
	_ =	sdelay $0x1  }
0x86: {  	v4 =	vadd.s32 v1, v4;
	_ =	sdelay $0x1  }
0x87: {  	s24 =	simm.s32 $0x0  }
0x88: {  	[tilespmem:s31], [sflag:$0x2] =	stream.indirect_vreg.gather [hbm4b:s2+s24], $0x80, v5, vm0, $0xb8;
	[tilespmem:$0x1DC00] =	vst v63  }
0x89: {  	s8 =	simm.s32 $0xE800  }
0x8a: {  	[tilespmem:s8], [sflag:$0x2] =	stream.indirect_vreg.gather [hbm4b:s2+s24], $0x80, v4, vm0, $0xb8;
	[tilespmem:$0x1DC00] =	vst v63  }
0x8b: {  	v4 =	vld [tilespmem:s25+$0x90];
	_ =	sdelay $0x4  }
0x8c: {  	v5 =	vshrl.u32 v4, $0x3  }
0x8d: {  	v5 =	vmul.u32 $0x18, v5  }
0x8e: {  	v4 =	vand.u32 $0x7, v4  }
0x8f: {  	v4 =	vor.u32 v4, v5  }
0x90: {  	v5 =	vperm.xlane v4, v0;
	_ =	sdelay $0x1  }
0x91: {  	v4 =	vperm.xlane v4, v2;
	v5 =	vadd.s32 v1, v5;
	_ =	sdelay $0x1  }
0x92: {  	v4 =	vadd.s32 v1, v4;
	_ =	sdelay $0x1  }
0x93: {  	s9 =	simm.s32 $0xF400  }
0x94: {  	[tilespmem:s9], [sflag:$0x2] =	stream.indirect_vreg.gather [hbm4b:s2+s24], $0x80, v5, vm0, $0xb8;
	[tilespmem:$0x1DC00] =	vst v63  }
0x95: {  	s11 =	simm.s32 $0x10000  }
0x96: {  	[tilespmem:s11], [sflag:$0x2] =	stream.indirect_vreg.gather [hbm4b:s2+s24], $0x80, v4, vm0, $0xb8;
	[tilespmem:$0x1DC00] =	vst v63  }
0x97: {  	v4 =	vld [tilespmem:s25+$0xA0];
	_ =	sdelay $0x4  }
0x98: {  	v5 =	vshrl.u32 v4, $0x3  }
0x99: {  	v5 =	vmul.u32 $0x18, v5  }
0x9a: {  	v4 =	vand.u32 $0x7, v4  }
0x9b: {  	v4 =	vor.u32 v4, v5  }
0x9c: {  	v5 =	vperm.xlane v4, v0;
	_ =	sdelay $0x1  }
0x9d: {  	v4 =	vperm.xlane v4, v2;
	v5 =	vadd.s32 v1, v5;
	_ =	sdelay $0x1  }
0x9e: {  	v4 =	vadd.s32 v1, v4;
	_ =	sdelay $0x1  }
0x9f: {  	s1 =	simm.s32 $0x10C00  }
0xa0: {  	[tilespmem:s1], [sflag:$0x2] =	stream.indirect_vreg.gather [hbm4b:s2+s24], $0x80, v5, vm0, $0xb8;
	[tilespmem:$0x1DC00] =	vst v63  }
0xa1: {  	s7 =	simm.s32 $0x11800  }
0xa2: {  	[tilespmem:s7], [sflag:$0x2] =	stream.indirect_vreg.gather [hbm4b:s2+s24], $0x80, v4, vm0, $0xb8;
	[tilespmem:$0x1DC00] =	vst v63  }
0xa3: {  	v4 =	vld [tilespmem:s25+$0xB0];
	_ =	sdelay $0x4  }
0xa4: {  	v5 =	vshrl.u32 v4, $0x3  }
0xa5: {  	v5 =	vmul.u32 $0x18, v5  }
0xa6: {  	v4 =	vand.u32 $0x7, v4  }
0xa7: {  	v4 =	vor.u32 v4, v5  }
0xa8: {  	v5 =	vperm.xlane v4, v0;
	_ =	sdelay $0x1  }
0xa9: {  	v4 =	vperm.xlane v4, v2;
	v5 =	vadd.s32 v1, v5;
	_ =	sdelay $0x1  }
0xaa: {  	v4 =	vadd.s32 v1, v4;
	_ =	sdelay $0x1  }
0xab: {  	s8 =	simm.s32 $0x12400  }
0xac: {  	[tilespmem:s8], [sflag:$0x2] =	stream.indirect_vreg.gather [hbm4b:s2+s24], $0x80, v5, vm0, $0xb8;
	[tilespmem:$0x1DC00] =	vst v63  }
0xad: {  	_ = 	snop  }
0xae: {  	[tilespmem:s12], [sflag:$0x2] =	stream.indirect_vreg.gather [hbm4b:s2+s24], $0x80, v4, vm0, $0xb8;
	[tilespmem:$0x1DC00] =	vst v63  }
0xaf: {  	v4 =	vld [tilespmem:s25+$0xC0];
	_ =	sdelay $0x4  }
0xb0: {  	v5 =	vshrl.u32 v4, $0x3  }
0xb1: {  	v5 =	vmul.u32 $0x18, v5  }
0xb2: {  	v4 =	vand.u32 $0x7, v4  }
0xb3: {  	v4 =	vor.u32 v4, v5  }
0xb4: {  	v5 =	vperm.xlane v4, v0;
	_ =	sdelay $0x1  }
0xb5: {  	v4 =	vperm.xlane v4, v2;
	v5 =	vadd.s32 v1, v5;
	_ =	sdelay $0x1  }
0xb6: {  	v4 =	vadd.s32 v1, v4;
	_ =	sdelay $0x2  }
0xb7: {  	[tilespmem:s13], [sflag:$0x2] =	stream.indirect_vreg.gather [hbm4b:s2+s24], $0x80, v5, vm0, $0xb8;
	[tilespmem:$0x1DC00] =	vst v63  }
0xb8: {  	_ = 	snop  }
0xb9: {  	[tilespmem:s14], [sflag:$0x2] =	stream.indirect_vreg.gather [hbm4b:s2+s24], $0x80, v4, vm0, $0xb8;
	[tilespmem:$0x1DC00] =	vst v63  }
0xba: {  	v4 =	vld [tilespmem:s25+$0xD0];
	_ =	sdelay $0x4  }
0xbb: {  	v5 =	vshrl.u32 v4, $0x3  }
0xbc: {  	v5 =	vmul.u32 $0x18, v5  }
0xbd: {  	v4 =	vand.u32 $0x7, v4  }
0xbe: {  	v4 =	vor.u32 v4, v5  }
0xbf: {  	v5 =	vperm.xlane v4, v0;
	_ =	sdelay $0x1  }
0xc0: {  	v4 =	vperm.xlane v4, v2;
	v5 =	vadd.s32 v1, v5;
	_ =	sdelay $0x1  }
0xc1: {  	v4 =	vadd.s32 v1, v4;
	_ =	sdelay $0x2  }
0xc2: {  	[tilespmem:s15], [sflag:$0x2] =	stream.indirect_vreg.gather [hbm4b:s2+s24], $0x80, v5, vm0, $0xb8;
	[tilespmem:$0x1DC00] =	vst v63  }
0xc3: {  	_ = 	snop  }
0xc4: {  	[tilespmem:s16], [sflag:$0x2] =	stream.indirect_vreg.gather [hbm4b:s2+s24], $0x80, v4, vm0, $0xb8;
	[tilespmem:$0x1DC00] =	vst v63  }
0xc5: {  	v4 =	vld [tilespmem:s25+$0xE0];
	_ =	sdelay $0x4  }
0xc6: {  	v5 =	vshrl.u32 v4, $0x3  }
0xc7: {  	v5 =	vmul.u32 $0x18, v5  }
0xc8: {  	v4 =	vand.u32 $0x7, v4  }
0xc9: {  	v4 =	vor.u32 v4, v5  }
0xca: {  	v5 =	vperm.xlane v4, v0;
	_ =	sdelay $0x1  }
0xcb: {  	v4 =	vperm.xlane v4, v2;
	v5 =	vadd.s32 v1, v5;
	_ =	sdelay $0x1  }
0xcc: {  	v4 =	vadd.s32 v1, v4;
	_ =	sdelay $0x2  }
0xcd: {  	[tilespmem:s17], [sflag:$0x2] =	stream.indirect_vreg.gather [hbm4b:s2+s24], $0x80, v5, vm0, $0xb8;
	[tilespmem:$0x1DC00] =	vst v63  }
0xce: {  	_ = 	snop  }
0xcf: {  	[tilespmem:s18], [sflag:$0x2] =	stream.indirect_vreg.gather [hbm4b:s2+s24], $0x80, v4, vm0, $0xb8;
	[tilespmem:$0x1DC00] =	vst v63  }
0xd0: {  	v4 =	vld [tilespmem:s25+$0xF0];
	_ =	sdelay $0x4  }
0xd1: {  	v5 =	vshrl.u32 v4, $0x3  }
0xd2: {  	v5 =	vmul.u32 $0x18, v5  }
0xd3: {  	v4 =	vand.u32 $0x7, v4  }
0xd4: {  	v4 =	vor.u32 v4, v5  }
0xd5: {  	v5 =	vperm.xlane v4, v0;
	_ =	sdelay $0x1  }
0xd6: {  	v4 =	vperm.xlane v4, v2;
	v5 =	vadd.s32 v1, v5;
	_ =	sdelay $0x1  }
0xd7: {  	v4 =	vadd.s32 v1, v4;
	_ =	sdelay $0x2  }
0xd8: {  	[tilespmem:s19], [sflag:$0x2] =	stream.indirect_vreg.gather [hbm4b:s2+s24], $0x80, v5, vm0, $0xb8;
	[tilespmem:$0x1DC00] =	vst v63  }
0xd9: {  	s9 =	simm.s32 $0x19C70  }
0xda: {  	[tilespmem:s20], [sflag:$0x2] =	stream.indirect_vreg.gather [hbm4b:s2+s24], $0x80, v4, vm0, $0xb8;
	[tilespmem:$0x1DC00] =	vst v63  }
0xdb: {  	s11 =	simm.s32 $0x0;
	v4 =	vld [tilespmem:s9+$0xFFFFFFE4]  }
0xdc: {  	s1 =	smul.u32 $0x3000, s11;
	_ =	sdelay $0x1  }
0xdd: {  	s7 =	sand.u32 $0x380, s24;
	s1 =	sshra.s32 s1, $0x2  }
0xde: {  	s1 =	sor.u32 s7, s1  }
0xdf: {  	[tilespmem:s1+$0x2400] =	vst v4  }
0xe0: {  	v5 =	vmov s24;
	v4 =	vld [tilespmem:s9+$0xFFFFFFF4]  }
0xe1: {  	v6 =	vshrl.u32 v5, $0x3  }
0xe2: {  	v5 =	vshll.u32 v5, $0x7;
	v6 =	vmul.u32 $0xC00, v6  }
0xe3: {  	v5 =	vand.u32 $0x380, v5  }
0xe4: {  	v5 =	vor.u32 v5, v6  }
0xe5: {  	[tilespmem:s1+$0x2410] =	vst v4;
	v4 =	vor.u32 v3, v5  }
0xe6: {  	v5 =	vld [tilespmem:s9+$0x0];
	v4 =	vadd.s32 $0x800, v4;
	_ =	sdelay $0x4  }
0xe7: {  	s0 =	simm.s32 $0x19CF0;
	s7 =	simm.s32 $0x1;
	s8 =	simm.s32 $0x2;
	[tilespmem:v4+s10+$0x0] =	vst.idx.msk vm1, v5  }
0xe8: {  	s25 =	sor.u32 $0x80, s25;
	s1 =	sshll.u32 s23, $0x1;
	s9 =	simm.s32 $0x0;
	v4 =	vld [tilespmem:s0+$0xFFFFFFE4]  }
.LBB2_3:
0xe9: {  	p0 =	sne.s32 s8, $0x7F;
	s9 =	smul.u32 $0x3000, s9  }
0xea: {  	s24 =	sadd.s32 $0x80, s24  }
0xeb: {  	s11 =	sand.u32 $0x380, s24;
	s9 =	sshra.s32 s9, $0x2  }
0xec: {  	s9 =	sor.u32 s11, s9  }
0xed: {  	[tilespmem:s9+$0x2400] =	vst v4  }
0xee: {  	v5 =	vmov s7;
	s7 =	smov.u32 s8;
	v4 =	vld [tilespmem:s0+$0xFFFFFFF4]  }
0xef: {  	v6 =	vshrl.u32 v5, $0x3  }
0xf0: {  	v5 =	vshll.u32 v5, $0x7;
	v6 =	vmul.u32 $0xC00, v6  }
0xf1: {  	v5 =	vand.u32 $0x380, v5  }
0xf2: {  	v5 =	vor.u32 v5, v6  }
0xf3: {  	[tilespmem:s9+$0x2410] =	vst v4;
	v4 =	vor.u32 v3, v5  }
0xf4: {  	v5 =	vld [tilespmem:s0+$0x0];
	v4 =	vadd.s32 $0x800, v4;
	_ =	sdelay $0x1  }
.Ltmp0:
0xf5: {  	(pc) =	sbr.rel @p0 .LBB2_3-.Ltmp0, $3  }
0xf6: {  	_ =	sdelay $0x1  }
0xf7: {  	s0 =	sadd.s32 $0x80, s0;
	[tilespmem:v4+s10+$0x0] =	vst.idx.msk vm1, v5  }
0xf8: {  	s8 =	sadd.s32 $0x1, s8;
	s9 =	sshrl.u32 s7, $0x3;
	v4 =	vld [tilespmem:s0+$0xFFFFFFE4]  }
0xf9: {  	s8 =	smul.u32 $0x3000, s9  }
0xfa: {  	s24 =	sadd.s32 $0x80, s24  }
0xfb: {  	s9 =	sand.u32 $0x380, s24;
	s8 =	sshra.s32 s8, $0x2  }
0xfc: {  	s8 =	sor.u32 s9, s8  }
0xfd: {  	[tilespmem:s8+$0x2400] =	vst v4  }
0xfe: {  	v5 =	vmov s7;
	v4 =	vld [tilespmem:s0+$0xFFFFFFF4]  }
0xff: {  	v6 =	vshrl.u32 v5, $0x3  }
0x100: {  	v5 =	vshll.u32 v5, $0x7;
	v6 =	vmul.u32 $0xC00, v6  }
0x101: {  	v5 =	vand.u32 $0x380, v5  }
0x102: {  	v5 =	vor.u32 v5, v6  }
0x103: {  	[tilespmem:s8+$0x2410] =	vst v4;
	v4 =	vor.u32 v3, v5  }
0x104: {  	v5 =	vld [tilespmem:s0+$0x0];
	v4 =	vadd.s32 $0x800, v4;
	_ =	sdelay $0x3  }
0x105: {  	s24 =	sadd.s32 s6, s1  }
0x106: {  	s11 =	smul.u32 $0x1800, s24;
	[tilespmem:v4+s10+$0x0] =	vst.idx.msk vm1, v5  }
0x107: {  	[tilespmem:s28], [sflag:$0x3] =	stream.indirect.gather [hbm4b:s4+s26], $0x80, s25, s26, $0xb8;
	[tilespmem:$0x1DC00] =	vst v63  }
0x108: {  	s0 =	sadd.s32 s5, s11  }
0x109: {  	[hbm4b:s0+s3] =	stream.linear.scatter [tilespmem:s10], [sflag:$0x4], $0xC000, $0x38;
	[tilespmem:$0x1DC00] =	vst v63  }
0x10a: {  	p0 =	seq.s32 s23, $0x18;
	_ =	swait.ge [sflag:s21], $0x8000  }
.Ltmp1:
0x10b: {  	[sflag:s21] =	ssyncset.done $0x0;
	(pc) =	sbr.rel @p0 .LBB2_6-.Ltmp1, $4  }
0x10c: {  	[sflag:s21] =	ssyncadd.s32 $0xFFFF8000  }
0x10d: {  	_ =	swait.ge [sflag:s30], $0x4000  }
0x10e: {  	[sflag:s30] =	ssyncset.done $0x0  }
0x10f: {  	s25 =	sadd.s32 $0x2, s1;
	[sflag:s30] =	ssyncadd.s32 $0xFFFFC000  }
0x110: {  	_ =	swait.ge [sflag:s22], $0xC000  }
0x111: {  	s0 =	sshll.u32 s25, $0x7;
	[sflag:s22] =	ssyncset.done $0x0  }
0x112: {  	s1 =	sand.u32 $0x3FFFFF80, s0;
	[sflag:s22] =	ssyncadd.s32 $0xFFFF4000  }
0x113: {  	v4 =	vld [tilespmem:s1+$0x0];
	_ =	sdelay $0x4  }
0x114: {  	v5 =	vshrl.u32 v4, $0x3  }
0x115: {  	v5 =	vmul.u32 $0x18, v5  }
0x116: {  	v4 =	vand.u32 $0x7, v4  }
0x117: {  	v4 =	vor.u32 v4, v5  }
0x118: {  	v5 =	vperm.xlane v4, v0;
	_ =	sdelay $0x1  }
0x119: {  	v4 =	vperm.xlane v4, v2;
	v5 =	vadd.s32 v1, v5;
	_ =	sdelay $0x1  }
0x11a: {  	v4 =	vadd.s32 v1, v4;
	_ =	sdelay $0x2  }
0x11b: {  	[tilespmem:s10], [sflag:$0x1] =	stream.indirect_vreg.gather [hbm4b:s2+s3], $0x80, v5, vm0, $0xb8;
	[tilespmem:$0x1DC00] =	vst v63  }
0x11c: {  	s8 =	simm.s32 $0x2800  }
0x11d: {  	[tilespmem:s8], [sflag:$0x1] =	stream.indirect_vreg.gather [hbm4b:s2+s3], $0x80, v4, vm0, $0xb8;
	[tilespmem:$0x1DC00] =	vst v63  }
0x11e: {  	v4 =	vld [tilespmem:s1+$0x10];
	_ =	sdelay $0x4  }
0x11f: {  	v5 =	vshrl.u32 v4, $0x3  }
0x120: {  	v5 =	vmul.u32 $0x18, v5  }
0x121: {  	v4 =	vand.u32 $0x7, v4  }
0x122: {  	v4 =	vor.u32 v4, v5  }
0x123: {  	v5 =	vperm.xlane v4, v0;
	_ =	sdelay $0x1  }
0x124: {  	v4 =	vperm.xlane v4, v2;
	v5 =	vadd.s32 v1, v5;
	_ =	sdelay $0x1  }
0x125: {  	v4 =	vadd.s32 v1, v4;
	_ =	sdelay $0x1  }
0x126: {  	s9 =	simm.s32 $0x3400  }
0x127: {  	[tilespmem:s9], [sflag:$0x1] =	stream.indirect_vreg.gather [hbm4b:s2+s3], $0x80, v5, vm0, $0xb8;
	[tilespmem:$0x1DC00] =	vst v63  }
0x128: {  	s11 =	simm.s32 $0x4000  }
0x129: {  	[tilespmem:s11], [sflag:$0x1] =	stream.indirect_vreg.gather [hbm4b:s2+s3], $0x80, v4, vm0, $0xb8;
	[tilespmem:$0x1DC00] =	vst v63  }
0x12a: {  	v4 =	vld [tilespmem:s1+$0x20];
	_ =	sdelay $0x4  }
0x12b: {  	v5 =	vshrl.u32 v4, $0x3  }
0x12c: {  	v5 =	vmul.u32 $0x18, v5  }
0x12d: {  	v4 =	vand.u32 $0x7, v4  }
0x12e: {  	v4 =	vor.u32 v4, v5  }
0x12f: {  	v5 =	vperm.xlane v4, v0;
	_ =	sdelay $0x1  }
0x130: {  	v4 =	vperm.xlane v4, v2;
	v5 =	vadd.s32 v1, v5;
	_ =	sdelay $0x1  }
0x131: {  	v4 =	vadd.s32 v1, v4;
	_ =	sdelay $0x1  }
0x132: {  	s7 =	simm.s32 $0x4C00  }
0x133: {  	[tilespmem:s7], [sflag:$0x1] =	stream.indirect_vreg.gather [hbm4b:s2+s3], $0x80, v5, vm0, $0xb8;
	[tilespmem:$0x1DC00] =	vst v63  }
0x134: {  	s8 =	simm.s32 $0x5800  }
0x135: {  	[tilespmem:s8], [sflag:$0x1] =	stream.indirect_vreg.gather [hbm4b:s2+s3], $0x80, v4, vm0, $0xb8;
	[tilespmem:$0x1DC00] =	vst v63  }
0x136: {  	v4 =	vld [tilespmem:s1+$0x30];
	_ =	sdelay $0x4  }
0x137: {  	v5 =	vshrl.u32 v4, $0x3  }
0x138: {  	v5 =	vmul.u32 $0x18, v5  }
0x139: {  	v4 =	vand.u32 $0x7, v4  }
0x13a: {  	v4 =	vor.u32 v4, v5  }
0x13b: {  	v5 =	vperm.xlane v4, v0;
	_ =	sdelay $0x1  }
0x13c: {  	v4 =	vperm.xlane v4, v2;
	v5 =	vadd.s32 v1, v5;
	_ =	sdelay $0x1  }
0x13d: {  	v4 =	vadd.s32 v1, v4;
	_ =	sdelay $0x1  }
0x13e: {  	s9 =	simm.s32 $0x6400  }
0x13f: {  	[tilespmem:s9], [sflag:$0x1] =	stream.indirect_vreg.gather [hbm4b:s2+s3], $0x80, v5, vm0, $0xb8;
	[tilespmem:$0x1DC00] =	vst v63  }
0x140: {  	s11 =	simm.s32 $0x7000  }
0x141: {  	[tilespmem:s11], [sflag:$0x1] =	stream.indirect_vreg.gather [hbm4b:s2+s3], $0x80, v4, vm0, $0xb8;
	[tilespmem:$0x1DC00] =	vst v63  }
0x142: {  	v4 =	vld [tilespmem:s1+$0x40];
	_ =	sdelay $0x4  }
0x143: {  	v5 =	vshrl.u32 v4, $0x3  }
0x144: {  	v5 =	vmul.u32 $0x18, v5  }
0x145: {  	v4 =	vand.u32 $0x7, v4  }
0x146: {  	v4 =	vor.u32 v4, v5  }
0x147: {  	v5 =	vperm.xlane v4, v0;
	_ =	sdelay $0x1  }
0x148: {  	v4 =	vperm.xlane v4, v2;
	v5 =	vadd.s32 v1, v5;
	_ =	sdelay $0x1  }
0x149: {  	v4 =	vadd.s32 v1, v4;
	_ =	sdelay $0x1  }
0x14a: {  	s7 =	simm.s32 $0x7C00  }
0x14b: {  	[tilespmem:s7], [sflag:$0x1] =	stream.indirect_vreg.gather [hbm4b:s2+s3], $0x80, v5, vm0, $0xb8;
	[tilespmem:$0x1DC00] =	vst v63  }
0x14c: {  	s8 =	simm.s32 $0x8800  }
0x14d: {  	[tilespmem:s8], [sflag:$0x1] =	stream.indirect_vreg.gather [hbm4b:s2+s3], $0x80, v4, vm0, $0xb8;
	[tilespmem:$0x1DC00] =	vst v63  }
0x14e: {  	v4 =	vld [tilespmem:s1+$0x50];
	_ =	sdelay $0x4  }
0x14f: {  	v5 =	vshrl.u32 v4, $0x3  }
0x150: {  	v5 =	vmul.u32 $0x18, v5  }
0x151: {  	v4 =	vand.u32 $0x7, v4  }
0x152: {  	v4 =	vor.u32 v4, v5  }
0x153: {  	v5 =	vperm.xlane v4, v0;
	_ =	sdelay $0x1  }
0x154: {  	v4 =	vperm.xlane v4, v2;
	v5 =	vadd.s32 v1, v5;
	_ =	sdelay $0x1  }
0x155: {  	v4 =	vadd.s32 v1, v4;
	_ =	sdelay $0x1  }
0x156: {  	s9 =	simm.s32 $0x9400  }
0x157: {  	[tilespmem:s9], [sflag:$0x1] =	stream.indirect_vreg.gather [hbm4b:s2+s3], $0x80, v5, vm0, $0xb8;
	[tilespmem:$0x1DC00] =	vst v63  }
0x158: {  	s11 =	simm.s32 $0xA000  }
0x159: {  	[tilespmem:s11], [sflag:$0x1] =	stream.indirect_vreg.gather [hbm4b:s2+s3], $0x80, v4, vm0, $0xb8;
	[tilespmem:$0x1DC00] =	vst v63  }
0x15a: {  	v4 =	vld [tilespmem:s1+$0x60];
	_ =	sdelay $0x4  }
0x15b: {  	v5 =	vshrl.u32 v4, $0x3  }
0x15c: {  	v5 =	vmul.u32 $0x18, v5  }
0x15d: {  	v4 =	vand.u32 $0x7, v4  }
0x15e: {  	v4 =	vor.u32 v4, v5  }
0x15f: {  	v5 =	vperm.xlane v4, v0;
	_ =	sdelay $0x1  }
0x160: {  	v4 =	vperm.xlane v4, v2;
	v5 =	vadd.s32 v1, v5;
	_ =	sdelay $0x1  }
0x161: {  	v4 =	vadd.s32 v1, v4;
	_ =	sdelay $0x1  }
0x162: {  	s7 =	simm.s32 $0xAC00  }
0x163: {  	[tilespmem:s7], [sflag:$0x1] =	stream.indirect_vreg.gather [hbm4b:s2+s3], $0x80, v5, vm0, $0xb8;
	[tilespmem:$0x1DC00] =	vst v63  }
0x164: {  	s8 =	simm.s32 $0xB800  }
0x165: {  	[tilespmem:s8], [sflag:$0x1] =	stream.indirect_vreg.gather [hbm4b:s2+s3], $0x80, v4, vm0, $0xb8;
	[tilespmem:$0x1DC00] =	vst v63  }
0x166: {  	v4 =	vld [tilespmem:s1+$0x70];
	_ =	sdelay $0x4  }
0x167: {  	v5 =	vshrl.u32 v4, $0x3  }
0x168: {  	v5 =	vmul.u32 $0x18, v5  }
0x169: {  	v4 =	vand.u32 $0x7, v4  }
0x16a: {  	v4 =	vor.u32 v4, v5  }
0x16b: {  	v5 =	vperm.xlane v4, v0;
	_ =	sdelay $0x1  }
0x16c: {  	v4 =	vperm.xlane v4, v2;
	v5 =	vadd.s32 v1, v5;
	_ =	sdelay $0x1  }
0x16d: {  	v4 =	vadd.s32 v1, v4;
	_ =	sdelay $0x1  }
0x16e: {  	s9 =	simm.s32 $0xC400  }
0x16f: {  	[tilespmem:s9], [sflag:$0x1] =	stream.indirect_vreg.gather [hbm4b:s2+s3], $0x80, v5, vm0, $0xb8;
	[tilespmem:$0x1DC00] =	vst v63  }
0x170: {  	s11 =	simm.s32 $0xD000  }
0x171: {  	[tilespmem:s11], [sflag:$0x1] =	stream.indirect_vreg.gather [hbm4b:s2+s3], $0x80, v4, vm0, $0xb8;
	[tilespmem:$0x1DC00] =	vst v63  }
.LBB2_6:
0x172: {  	s0 =	simm.s32 $0x19C70  }
0x173: {  	s1 =	simm.s32 $0x0;
	v4 =	vld [tilespmem:s0+$0xFFFFFFE4]  }
0x174: {  	s7 =	smul.u32 $0x3000, s1  }
0x175: {  	s1 =	simm.s32 $0x0  }
0x176: {  	s8 =	sand.u32 $0x380, s1;
	s7 =	sshra.s32 s7, $0x2  }
0x177: {  	s7 =	sor.u32 s8, s7  }
0x178: {  	[tilespmem:s7+$0xE400] =	vst v4  }
0x179: {  	v5 =	vmov s1;
	v4 =	vld [tilespmem:s0+$0xFFFFFFF4]  }
0x17a: {  	v6 =	vshrl.u32 v5, $0x3  }
0x17b: {  	v5 =	vshll.u32 v5, $0x7;
	v6 =	vmul.u32 $0xC00, v6  }
0x17c: {  	v5 =	vand.u32 $0x380, v5  }
0x17d: {  	v5 =	vor.u32 v5, v6  }
0x17e: {  	[tilespmem:s7+$0xE410] =	vst v4;
	v4 =	vor.u32 v3, v5  }
0x17f: {  	v5 =	vld [tilespmem:s0+$0x0];
	v4 =	vadd.s32 $0x800, v4;
	_ =	sdelay $0x4  }
0x180: {  	s0 =	simm.s32 $0x19CF0;
	[tilespmem:v4+s31+$0x0] =	vst.idx.msk vm1, v5  }
0x181: {  	s9 =	simm.s32 $0x0;
	s8 =	simm.s32 $0x2;
	s7 =	simm.s32 $0x1;
	v4 =	vld [tilespmem:s0+$0xFFFFFFE4]  }
.LBB2_7:
0x182: {  	p1 =	sne.s32 s8, $0x7F;
	s9 =	smul.u32 $0x3000, s9  }
0x183: {  	s1 =	sadd.s32 $0x80, s1  }
0x184: {  	s11 =	sand.u32 $0x380, s1;
	s9 =	sshra.s32 s9, $0x2  }
0x185: {  	s9 =	sor.u32 s11, s9  }
0x186: {  	[tilespmem:s9+$0xE400] =	vst v4  }
0x187: {  	v5 =	vmov s7;
	s7 =	smov.u32 s8;
	v4 =	vld [tilespmem:s0+$0xFFFFFFF4]  }
0x188: {  	v6 =	vshrl.u32 v5, $0x3  }
0x189: {  	v5 =	vshll.u32 v5, $0x7;
	v6 =	vmul.u32 $0xC00, v6  }
0x18a: {  	v5 =	vand.u32 $0x380, v5  }
0x18b: {  	v5 =	vor.u32 v5, v6  }
0x18c: {  	[tilespmem:s9+$0xE410] =	vst v4;
	v4 =	vor.u32 v3, v5  }
0x18d: {  	v5 =	vld [tilespmem:s0+$0x0];
	v4 =	vadd.s32 $0x800, v4;
	_ =	sdelay $0x1  }
.Ltmp2:
0x18e: {  	(pc) =	sbr.rel @p1 .LBB2_7-.Ltmp2, $3  }
0x18f: {  	_ =	sdelay $0x1  }
0x190: {  	s0 =	sadd.s32 $0x80, s0;
	[tilespmem:v4+s31+$0x0] =	vst.idx.msk vm1, v5  }
0x191: {  	s8 =	sadd.s32 $0x1, s8;
	s9 =	sshrl.u32 s7, $0x3;
	v4 =	vld [tilespmem:s0+$0xFFFFFFE4]  }
0x192: {  	s8 =	smul.u32 $0x3000, s9  }
0x193: {  	s1 =	sadd.s32 $0x80, s1  }
0x194: {  	s1 =	sand.u32 $0x380, s1;
	s8 =	sshra.s32 s8, $0x2  }
0x195: {  	s1 =	sor.u32 s1, s8  }
0x196: {  	[tilespmem:s1+$0xE400] =	vst v4  }
0x197: {  	v5 =	vmov s7;
	v4 =	vld [tilespmem:s0+$0xFFFFFFF4]  }
0x198: {  	v6 =	vshrl.u32 v5, $0x3  }
0x199: {  	v5 =	vshll.u32 v5, $0x7;
	v6 =	vmul.u32 $0xC00, v6  }
0x19a: {  	v5 =	vand.u32 $0x380, v5  }
0x19b: {  	v5 =	vor.u32 v5, v6  }
0x19c: {  	[tilespmem:s1+$0xE410] =	vst v4;
	v4 =	vor.u32 v3, v5  }
0x19d: {  	v5 =	vld [tilespmem:s0+$0x0];
	v4 =	vadd.s32 $0x800, v4;
	_ =	sdelay $0x3  }
0x19e: {  	s7 =	simm.s32 @!p0 $0x19C00;
	s0 =	sshll.u32 @!p0 s25, $0x7  }
0x19f: {  	s23 =	sadd.s32 $0x1, s23;
	s1 =	simm.s32 @!p0 $0x80;
	s0 =	sand.u32 @!p0 $0x3FFFFF80, s0;
	[tilespmem:v4+s31+$0x0] =	vst.idx.msk vm1, v5  }
0x1a0: {  	[tilespmem:s7], [sflag:$0x3] =	stream.indirect.gather @!p0 [hbm4b:s4+s1], $0x80, s0, s1, $0xb8;
	[tilespmem:$0x1DC00] =	vst v63  }
0x1a1: {  	s24 =	smul.u32 $0xC000, s24;
	p0 =	sne.s32 s23, $0x19  }
.Ltmp3:
0x1a2: {  	_ = 	snop;
	(pc) =	sbr.rel @p0 .LBB2_2-.Ltmp3, $4  }
0x1a3: {  	s25 =	sshrl.u32 s24, $0x3  }
0x1a4: {  	s0 =	sadd.s32 s5, s25  }
0x1a5: {  	s0 =	sadd.s32 $0x1800, s0  }
0x1a6: {  	[hbm4b:s0+s3] =	stream.linear.scatter [tilespmem:s31], [sflag:$0x5], $0xC000, $0x38;
	[tilespmem:$0x1DC00] =	vst v63  }
0x1a7: {  	_ =	swait.ge [sflag:s22], $0xC000  }
0x1a8: {  	[sflag:s22] =	ssyncset.done $0x0  }
0x1a9: {  	s1 =	simm.s32 $0x5;
	[sflag:s22] =	ssyncadd.s32 $0xFFFF4000  }
0x1aa: {  	_ =	swait.ge [sflag:s1], $0xC000  }
0x1ab: {  	s7 =	rddreg [dreg:$0x5]  }
0x1ac: {  	s0 =	rddreg [dreg:$0x4];
	s7 =	sadd.s32 $0x1, s7  }
0x1ad: {  	p0 =	sne.s32 s7, s0  }
.Ltmp4:
0x1ae: {  	_ = 	snop;
	(pc) =	sbr.rel @p0 .LBB2_1-.Ltmp4, $3  }
0x1af: {  	_ =	sdelay $0x1  }
0x1b0: {  	[sflag:s1] =	ssyncset.done $0x0  }
0x1b1: {  	[sflag:s1] =	ssyncadd.s32 $0xFFFF4000  }
0x1b2: {  	_ =	sfence.sel $0x180000  }
0x1b3: {  	[bflag:$0x0] =	sbarrier.arrive $0xFFFF  }
0x1b4: {  	_ =	strace $0x90000047  }
0x1b5: {  	s0 =	stileid.u32;
	[bflag:$0x2] =	sbarrier.arrive $0xFFFF  }
0x1b6: {  	p0 =	sne.s32 s0, $0x0;
	s0 =	rddreg [dreg:$0x2]  }
0x1b7: {  	s0 =	sadd.s32 @!p0 $0x100000, s0  }
0x1b8: {  	[sflag:s0] =	ssyncadd.tile.s32 @!p0 $0x1;
	_ =	shalt  }
.Lfunc_end2:
_tile_overlayer_lowered:
.L_overlay_start_2:
0x1b9: {  	(tag) =	ssettag $0x2  }
0x1ba: {  	s0 =	rddreg [dreg:$0x0];
	s2 =	stileid.u32  }
0x1bb: {  	s1 =	rddreg [dreg:$0x1];
	p0 =	sne.s32 s2, $0x0  }
0x1bc: {  	s3 =	rddreg [dreg:$0x2];
	[bflag:$0x3] =	sbarrier.arrive $0xFFFF;
	s2 =	simm.s32 @!p0 $0x1C06  }
0x1bd: {  	[timem:s3], [sflag:s2] =	dma.local @!p0 [hbm:s0], s1  }
0x1be: {  	s0 =	simm.s32 @!p0 $0x6  }
0x1bf: {  	_ =	swait.ge @!p0 [sflag:s0], s1  }
0x1c0: {  	s1 =	ssub.s32 @!p0 $0x0, s1;
	[sflag:s0] =	ssyncset.done @!p0 $0x0  }
0x1c1: {  	[sflag:s0] =	ssyncadd.s32 @!p0 s1  }
0x1c2: {  	[bflag:$0x3] =	sbarrier.arrive $0xFFFF  }
0x1c3: {  	_ =	shalt  }

// kernel: sparse-core-data-format-call.cloned.1.call-start
scs
called_computation_lowered:
.L_overlay_start_0:
0x0: {  	s2 =	sld [smem:$0x3FD9]  }
0x1: {  	s3 =	sld [smem:$0x3FFE];
	_ =	sdelay $0x1  }
0x2: {  	s1 =	srdreg.scid  }
0x3: {  	s0 =	sand.u32 $0x1, s1  }
0x4: {  	s18 =	sshll.u32 s0, $0xA;
	s2 =	sadd.s32 s3, s2  }
0x5: {  	s2 =	sadd.s32 s2, s18  }
0x6: {  	[smem:$0x3FC6] =	sst s2  }
0x7: {  	_ = 	snop  }
0x8: {  	s2 =	sld [smem:$0x3FD0];
	(tm) =	ssettm $0x1  }
0x9: {  	s19 =	sld [smem:$0x3FFB];
	_ =	sdelay $0x3  }
0xa: {  	_ =	strace s19  }
0xb: {  	s3 =	sld [smem:$0x3FFC];
	_ =	sdelay $0x3  }
0xc: {  	_ =	strace s3  }
0xd: {  	s3 =	sld [smem:$0x3FFD];
	_ =	sdelay $0x3  }
0xe: {  	_ =	strace s3  }
0xf: {  	_ =	strace $0x8FFFFFFF  }
0x10: {  	s20 =	sld [smem:$0x3FDB];
	_ =	sdelay $0x1  }
0x11: {  	s4 =	simm.s32 $_scs_section_size  }
0x12: {  	s5 =	simm.s32 $_size__tile_overlayer_lowered;
	s6 =	simm.s32 $_tile_overlayer_lowered  }
0x13: {  	s23 =	simm.s32 $0x1BFF;
	s22 =	sshll.u32 s6, $0x1;
	s3 =	sadd.s32 s4, s20  }
0x14: {  	s7 =	simm.s32 $0x0;
	s21 =	sshll.u32 s5, $0x1;
	s5 =	sadd.s32 s22, s3  }
0x15: {  	[timem:s7], [sflag:s23] =	dma.local [hbm:s5], s21  }
0x16: {  	_ =	swait.ge [sflag:s23], s21  }
0x17: {  	s4 =	ssub.s32 $0x0, s21;
	[sflag:s23] =	ssyncset.done $0x0  }
0x18: {  	[sflag:s23] =	ssyncadd.s32 s4;
	_ =	sdelay $0x1  }
0x19: {  	s24 =	simm.s32 $0x1B8B  }
0x1a: {  	_ =	swait.ge [sflag:s24], $0x1  }
0x1b: {  	[sflag:s24] =	ssyncset.done $0x0  }
0x1c: {  	s26 =	simm.s32 $0x1B8E;
	s25 =	sld [smem:$0x3FFE];
	[sflag:s24] =	ssyncadd.s32 $0xFFFFFFFF  }
0x1d: {  	s27 =	simm.s32 $execute0_lowered;
	[smem:$0x3FD2] =	sst s26  }
0x1e: {  	s5 =	sshll.u32 s27, $0x1;
	_ =	strace $0x80000049;
	[dreg:$0x1] =	wrdreg $0xFFFFFFFF  }
0x1f: {  	s28 =	simm.s32 $_size_execute0_lowered;
	s3 =	sadd.s32 s3, s5;
	[dreg:$0x0] =	wrdreg $0x0  }
0x20: {  	s5 =	sshll.u32 s28, $0x1;
	[dreg:$0x2] =	wrdreg s3  }
0x21: {  	[dreg:$0x3] =	wrdreg s5  }
0x22: {  	[dreg:$0x4] =	wrdreg $0xC0  }
0x23: {  	_ =	task [dreg:s7], $0x5FFFF  }
0x24: {  	[dreg:$0x1] =	wrdreg $0xFFFFFFFF  }
0x25: {  	[dreg:$0x0] =	wrdreg $0x60  }
0x26: {  	[dreg:$0x2] =	wrdreg s25  }
0x27: {  	[dreg:$0x3] =	wrdreg s2  }
0x28: {  	[dreg:$0x4] =	wrdreg $0x9  }
0x29: {  	_ =	task.clear_ibuf [dreg:s7], $0x5FFFF;
	_ =	strace $0x90000049  }
0x2a: {  	s29 =	simm.s32 $0x9;
	_ =	strace $0x8000004B  }
0x2b: {  	_ =	swait.ge [sflag:s29], $0x1  }
0x2c: {  	[sflag:s29] =	ssyncadd.s32 $0xFFFFFFFF  }
0x2d: {  	_ =	strace $0x9000004B  }
0x2e: {  	_ =	sfence  }
0x2f: {  	s30 =	sld [smem:$0x0];
	_ =	sdelay $0x2  }
0x30: {  	s31 =	sshll.u32 s1, $0xD;
	s1 =	sshrl.u32 s1, $0x2  }
0x31: {  	s3 =	sand.u32 $0x4000, s31;
	s1 =	sadd.s32 s1, s30  }
0x32: {  	s0 =	sor.u32 s3, s0;
	s1 =	sshll.u32 s1, $0x11  }
0x33: {  	s0 =	sor.u32 s1, s0  }
0x34: {  	s0 =	sadd.s32 $0x8F2B, s0  }
0x35: {  	[sflag:s0] =	ssyncadd.remote.s32 $0x1  }
0x36: {  	_ =	sfence.sel $0xFFFF  }
0x37: {  	[dreg:$0x0] =	wrdreg $0xFFFFFFFF;
	(pc) =	sbr.abs _section_cstart, $3  }
0x38: {  	[dreg:$0x1] =	wrdreg $0xFFFFFFFF  }
0x39: {  	_ =	task.clear_ibuf [dreg:s7], $0x2FFFF;
	_ =	strace $0x9FFFFFFF  }
0x3a: {  	(tm) =	ssettm $0x7FFFFFFF  }
0x3b: {  	_ =	shalt  }
tec
execute0_lowered:
.L_overlay_start_1:
0x0: {  	(tag) =	ssettag $0x1  }
0x1: {  	s0 =	srdreg.scid;
	s6 =	rddreg [dreg:$0x0]  }
0x2: {  	s3 =	rddreg [dreg:$0x1];
	s1 =	sshll.u32 s0, $0x4  }
0x3: {  	s5 =	simm.s32 $0x1;
	s0 =	stileid.u32;
	s1 =	sand.u32 $0x10, s1  }
0x4: {  	s31 =	simm.s32 $0x2;
	s16 =	simm.s32 $0x0;
	s1 =	sor.u32 s0, s1  }
0x5: {  	s8 =	simm.s32 $0x8000;
	s18 =	simm.s32 $0x0;
	s2 =	sshll.u32 s1, $0x7  }
0x6: {  	s17 =	simm.s32 $0x0;
	s9 =	simm.s32 $0x0;
	s4 =	ssub.s32 $0x1000, s2  }
0x7: {  	s10 =	simm.s32 $0x0;
	s11 =	simm.s32 $0x0;
	s30 =	sand.u32 $0xF80, s4  }
0x8: {  	s12 =	simm.s32 $0x0;
	s13 =	simm.s32 $0x0;
	p0 =	sne.s32 s30, $0x0  }
.Ltmp0:
0x9: {  	s7 =	sshrl.u32 s4, $0xC;
	s5 =	simm.s32 @!p0 $0x0;
	(pc) =	sbr.rel .LBB1_1-.Ltmp0, $4  }
0xa: {  	s15 =	simm.s32 $0x0;
	s1 =	rddreg [dreg:$0x2];
	s5 =	sadd.s32 s5, s7  }
0xb: {  	_ =	strace $0x8000004A;
	s4 =	simm.s32 $0x1;
	s5 =	smul.u32 $0x96, s5  }
0xc: {  	s6 =	sadd.s32 $0xAEE200, s6;
	s14 =	smov.u32 s2;
	[sflag:s4] =	ssyncpa.u1 $0x0  }
0xd: {  	[sflag:s31] =	ssyncpa.u1 $0x0;
	p0 =	por $0x0, $0x0;
	s7 =	sor.u32 $0x1, s5  }
.LBB1_4:
0xe: {  	s23 =	sshra.s32 s23, $0x2;
	s30 =	sshll.u32 s9, $0xC  }
0xf: {  	p1 =	sgt.s32 s10, $0x31;
	s24 =	smov.u32 s10;
	s25 =	sshra.s32 s10, $0x1F  }
0x10: {  	s26 =	sshll.u32 s11, $0x3;
	s28 =	smov.u32 s11;
	s29 =	sshra.s32 s11, $0x1F  }
0x11: {  	s22 =	sadd.s32 s23, s22;
	s24 =	simm.s32 @!p1 $0x31;
	s25 =	sand.u32 s25, s10  }
0x12: {  	s23 =	sand.u32 $0xFFFF8000, s30;
	s27 =	sand.u32 $0xFFFFFC00, s26;
	p1 =	sgt.s32 s9, $0xB0  }
0x13: {  	s31 =	sand.u32 s29, s11;
	s29 =	sshll.u32 s9, $0x7;
	s30 =	sshra.s32 s9, $0x1F  }
0x14: {  	[tilespmem:s21+$0x2040 ss:$0x81] =	vst.msk $0xffff, v4;
	s24 =	ssub.s32 s24, s25;
	s23 =	sadd.s32 s27, s23;
	s27 =	smov.u32 s9  }
0x15: {  	[tilespmem:s21+$0x2850 ss:$0x81] =	vst.msk $0xffff, v3;
	s29 =	sand.u32 $0x380, s29;
	s25 =	sadd.s32 $0xFFFFFFCF, s24;
	s27 =	simm.s32 @!p1 $0xB0  }
0x16: {  	v5 =	vld [tilespmem:s20+$0xFFFFFFD0];
	[tilespmem:s21+$0x3060 ss:$0x81] =	vst.msk $0xffff, v2;
	p1 =	sgt.s32 s11, $0xF80;
	s23 =	sshrl.u32 s23, $0xC;
	s24 =	ssub.s32 $0x32, s24  }
0x17: {  	v58 =	vld [tilespmem:s20+$0xFFFFFFE0];
	[tilespmem:s21+$0x0 ss:$0x81] =	vst.msk $0xffff, v1;
	s28 =	simm.s32 @!p1 $0xF80;
	p1 =	sgt.s32 s25, $0x0;
	s21 =	smulhi.u32 $0xD79436, s23  }
0x18: {  	v59 =	vld [tilespmem:s20+$0xFFFFFFF0];
	s25 =	ssub.s32 s28, s31;
	s28 =	sand.u32 s30, s9;
	s24 =	simm.s32 @p1 $0x0  }
0x19: {  	v60 =	vld [tilespmem:s20+$0x0];
	s27 =	ssub.s32 s27, s28;
	s31 =	sadd.s32 $0xFFFFF080, s25;
	s25 =	ssub.s32 $0x1000, s25  }
0x1a: {  	v61 =	vld [tilespmem:s20+$0x10];
	[tilespmem:s22+$0x3870 ss:$0x81] =	vst.msk $0xffff, v0;
	s21 =	smul.u32 $0x130, s21;
	s28 =	sand.u32 $0x7, s11;
	p1 =	sgt.s32 s31, $0x7F  }
0x1b: {  	v62 =	vld [tilespmem:s20+$0x20];
	[tilespmem:s22+$0x810 ss:$0x81] =	vst.msk $0xffff, v5;
	s30 =	sadd.s32 $0xFFFFFF50, s27;
	s31 =	sand.u32 $0x78, s11;
	s25 =	simm.s32 @p1 $0x0  }
0x1c: {  	v63 =	vld [tilespmem:s20+$0xFFFFFFC0];
	[tilespmem:s22+$0x1020 ss:$0x81] =	vst.msk $0xffff, v58;
	p1 =	sgt.s32 s30, $0x7F;
	s30 =	sand.u32 $0xC00, s26;
	s24 =	smul.u32 s25, s24  }
0x1d: {  	[tilespmem:s22+$0x1830 ss:$0x81] =	vst.msk $0xffff, v59;
	s26 =	ssub.s32 $0x130, s27;
	s20 =	sor.u32 s31, s30;
	s31 =	smul.u32 $0x26000, s10  }
0x1e: {  	[tilespmem:s22+$0x2040 ss:$0x81] =	vst.msk $0xffff, v60;
	s21 =	ssub.s32 s23, s21;
	s26 =	simm.s32 @p1 $0x0;
	s20 =	sor.u32 s29, s20  }
0x1f: {  	[tilespmem:s22+$0x2850 ss:$0x81] =	vst.msk $0xffff, v61;
	s26 =	smul.u32 s26, s24;
	s20 =	sshrl.u32 s20, $0x3;
	s27 =	sadd.s32 s3, s31  }
0x20: {  	[tilespmem:s22+$0x3060 ss:$0x81] =	vst.msk $0xffff, v62;
	s21 =	sshll.u32 s21, $0x9;
	s29 =	sshll.u32 s28, $0x12;
	s20 =	sadd.s32 s20, s27  }
0x21: {  	[tilespmem:s22+$0x0 ss:$0x81] =	vst.msk $0xffff, v63;
	s31 =	sor.u32 $0x400, s29;
	s30 =	sand.u32 $0x3FFFFFFF, s26;
	s20 =	sadd.s32 s21, s20  }
0x22: {  	[hbm4b:s20+s31] =	stream.strided.scatter [tilespmem:s19], [sflag:$0x2], s30, s8, s31, $0x20;
	[tilespmem:$0x10100] =	vst v63  }
.LBB1_5:
0x23: {  	p1 =	slt.u32 s15, $0x2  }
0x24: {  	p2 =	sgt.s32 @!p1 s18, $0x31  }
0x25: {  	s19 =	smov.u32 s18;
	s20 =	sshra.s32 @!p1 s18, $0x1F;
	p2 =	por !p2, p1  }
0x26: {  	s18 =	sand.u32 @!p1 s20, s18;
	s19 =	simm.s32 @p2 $0x31  }
0x27: {  	p3 =	sgt.s32 @!p1 s16, $0xB0;
	s18 =	ssub.s32 @!p1 s19, s18  }
0x28: {  	p4 =	sgt.s32 @!p1 s17, $0xF80;
	s21 =	sshra.s32 @!p1 s17, $0x1F;
	s19 =	sadd.s32 @!p1 $0xFFFFFFCF, s18  }
0x29: {  	s20 =	smov.u32 s16;
	p2 =	sgt.s32 @!p1 s19, $0x0;
	s19 =	sshra.s32 @!p1 s16, $0x1F  }
0x2a: {  	p4 =	por !p4, p1;
	s16 =	sand.u32 @!p1 s19, s16;
	s19 =	smov.u32 s17  }
0x2b: {  	p3 =	por !p3, p1;
	s17 =	sand.u32 @!p1 s21, s17;
	s19 =	simm.s32 @p4 $0xF80  }
0x2c: {  	s20 =	simm.s32 @p3 $0xB0;
	s18 =	ssub.s32 @!p1 $0x32, s18;
	s17 =	ssub.s32 @!p1 s19, s17  }
0x2d: {  	p2 =	por !p2, p1;
	s16 =	ssub.s32 @!p1 s20, s16;
	s20 =	sadd.s32 @!p1 $0xFFFFF080, s17  }
0x2e: {  	s18 =	simm.s32 @!p2 $0x0;
	p3 =	sgt.s32 @!p1 s20, $0x7F  }
0x2f: {  	s19 =	sadd.s32 @!p1 $0xFFFFFF50, s16;
	s17 =	ssub.s32 @!p1 $0x1000, s17;
	p3 =	por !p3, p1  }
0x30: {  	p2 =	sgt.s32 @!p1 s19, $0x7F;
	s19 =	sadd.s32 $0x80, s12;
	s17 =	simm.s32 @!p3 $0x0  }
0x31: {  	p3 =	sgt.s32 s19, $0x12B;
	s17 =	smul.u32 @!p1 s17, s18;
	s18 =	simm.s32 $0x1  }
0x32: {  	s16 =	ssub.s32 @!p1 $0x130, s16;
	p2 =	por !p2, p1;
	s18 =	simm.s32 @!p3 $0x0  }
0x33: {  	s21 =	smov.u32 s14;
	s16 =	simm.s32 @!p2 $0x0;
	s20 =	sadd.s32 s18, s13  }
0x34: {  	s16 =	smul.u32 @!p1 s16, s17;
	s17 =	sadd.s32 $0x1000, s14;
	p2 =	sgt.s32 s20, $0x31  }
0x35: {  	p0 =	por !p0, !p0;
	s22 =	simm.s32 @!p1 $0x2;
	s21 =	smov.u32 @p2 s17  }
0x36: {  	s19 =	simm.s32 @p3 $0x0;
	s20 =	simm.s32 @p2 $0x0;
	p2 =	sgt.s32 s21, $0xFFF  }
0x37: {  	s18 =	smov.u32 s10;
	s21 =	smov.u32 @p2 s2;
	p2 =	sne.s32 s15, s7  }
.Ltmp1:
0x38: {  	s10 =	smov.u32 s13;
	s16 =	sand.u32 @!p1 $0x3FFFFFFF, s16;
	(pc) =	sbr.rel @!p2 .LBB1_6-.Ltmp1, $4  }
0x39: {  	s17 =	smov.u32 s11;
	s11 =	smov.u32 s14;
	_ =	swait.ge @!p1 [sflag:s22], s16  }
0x3a: {  	s23 =	ssub.s32 @!p1 $0x0, s16;
	s16 =	smov.u32 s9;
	s9 =	smov.u32 s12  }
0x3b: {  	s12 =	smov.u32 s19;
	s13 =	smov.u32 s20;
	[sflag:s22] =	ssyncset.done @!p1 $0x0  }
0x3c: {  	s15 =	sadd.s32 $0x1, s15;
	[sflag:s22] =	ssyncadd.s32 @!p1 s23;
	s14 =	smov.u32 s21  }
.LBB1_1:
0x3d: {  	p1 =	sge.u32 s15, s5  }
0x3e: {  	s19 =	sshrl.u32 @!p1 s13, $0x3  }
0x3f: {  	s20 =	sshll.u32 @!p1 s12, $0x3;
	s19 =	smul.u32 @!p1 $0xC00, s19  }
0x40: {  	s21 =	sshll.u32 @!p1 s13, $0x7;
	s20 =	sand.u32 @!p1 $0xFFFFFC00, s20  }
0x41: {  	s19 =	sadd.s32 @!p1 s19, s20;
	s20 =	sand.u32 @!p1 $0x380, s21  }
0x42: {  	s19 =	sor.u32 @!p1 s20, s19  }
0x43: {  	s20 =	sand.u32 @!p1 $0x7F, s12;
	s21 =	smulhi.u32 @!p1 $0xAAAAAAAB, s19  }
0x44: {  	s19 =	sor.u32 @!p1 s20, s19  }
0x45: {  	s20 =	smulhi.u32 @!p1 $0xAAAAAAAB, s19;
	s21 =	sshrl.u32 @!p1 s21, $0x8  }
0x46: {  	s22 =	smulhi.u32 @!p1 $0x4924925, s21;
	_ =	sdelay $0x1  }
0x47: {  	s20 =	sshrl.u32 @!p1 s20, $0x8;
	s22 =	smul.u32 @!p1 $0x38, s22  }
0x48: {  	s31 =	sadd.s32 $0xFFFFFFFF, s15;
	s20 =	smul.u32 @!p1 $0x180, s20  }
0x49: {  	s23 =	sxor.u32 @!p1 $0xFFFFFFFF, s15;
	s21 =	ssub.s32 @!p1 s21, s22;
	s22 =	smul.u32 @!p1 $0xA80, s14  }
0x4a: {  	s23 =	sshll.u32 @!p1 s23, $0xE;
	s19 =	ssub.s32 @!p1 s19, s20;
	s20 =	smul.u32 @!p1 $0x30, s21  }
0x4b: {  	s21 =	sand.u32 @!p1 $0x4000, s23;
	s23 =	sand.u32 @!p1 $0x7, s19;
	s22 =	sadd.s32 @!p1 s6, s22  }
0x4c: {  	s19 =	sshrl.u32 @!p1 s19, $0x3;
	s20 =	sadd.s32 @!p1 s20, s22;
	s22 =	sshll.u32 @!p1 s23, $0x12  }
0x4d: {  	s19 =	sadd.s32 @!p1 s19, s20;
	s20 =	sor.u32 @!p1 $0x80, s22;
	s22 =	simm.s32 @!p1 $0x5400  }
0x4e: {  	[tilespmem:s21], [sflag:$0x1] =	stream.strided.gather @!p1 [hbm4b:s19+s20], $0x4000, s22, s20, $0x38;
	[tilespmem:$0x10100] =	vst v63  }
0x4f: {  	p1 =	sge.u32 s31, s5  }
.Ltmp2:
0x50: {  	_ = 	snop;
	(pc) =	sbr.rel @p1 .LBB1_5-.Ltmp2, $1  }
0x51: {  	_ =	sdelay $0x3  }
0x52: {  	s19 =	simm.s32 $0x1  }
0x53: {  	_ =	swait.ge [sflag:s4], $0x4000;
	s19 =	simm.s32 @!p0 $0x0  }
0x54: {  	[sflag:s4] =	ssyncset.done $0x0;
	s20 =	sshll.u32 s19, $0xE  }
0x55: {  	[sflag:s4] =	ssyncadd.s32 $0xFFFFC000;
	s20 =	sor.u32 $0x40, s20  }
0x56: {  	s19 =	smul.u32 $0x10200, s19;
	v0 =	vld [tilespmem:s20+$0x30]  }
0x57: {  	v1 =	vld [tilespmem:s20+$0xFFFFFFD0]  }
0x58: {  	s19 =	sshrl.u32 s19, $0x2;
	v5 =	vld [tilespmem:s20+$0xFFFFFFE0]  }
0x59: {  	v6 =	vld [tilespmem:s20+$0xFFFFFFF0];
	s22 =	sor.u32 $0x8000, s19  }
0x5a: {  	s31 =	sand.u32 $0x1, s15;
	v4 =	vld [tilespmem:s20+$0x0];
	s21 =	sadd.s32 $0x0, s22  }
0x5b: {  	v3 =	vld [tilespmem:s20+$0x10];
	s19 =	smul.u32 $0x10200, s31;
	[tilespmem:s21+$0x3870 ss:$0x81] =	vst.msk $0xffff, v0  }
0x5c: {  	v2 =	vld [tilespmem:s20+$0x20];
	[tilespmem:s21+$0x810 ss:$0x81] =	vst.msk $0xffff, v1  }
0x5d: {  	s19 =	sshrl.u32 s19, $0x2;
	v1 =	vld [tilespmem:s20+$0xFFFFFFC0];
	[tilespmem:s21+$0x1020 ss:$0x81] =	vst.msk $0xffff, v5;
	s20 =	sadd.s32 $0x80, s20  }
0x5e: {  	s23 =	simm.s32 $0x4;
	s24 =	simm.s32 $0x8;
	s19 =	sor.u32 $0x8000, s19;
	[tilespmem:s21+$0x1830 ss:$0x81] =	vst.msk $0xffff, v6;
	v0 =	vld [tilespmem:s20+$0x30]  }
.LBB1_3:
0x5f: {  	p1 =	sne.s32 s24, $0x1FC;
	v5 =	vld [tilespmem:s20+$0xFFFFFFD0];
	[tilespmem:s21+$0x2040 ss:$0x81] =	vst.msk $0xffff, v4  }
0x60: {  	v6 =	vld [tilespmem:s20+$0xFFFFFFE0];
	[tilespmem:s21+$0x2850 ss:$0x81] =	vst.msk $0xffff, v3  }
0x61: {  	s25 =	sshra.s32 s23, $0x2;
	s23 =	smov.u32 s24;
	v7 =	vld [tilespmem:s20+$0xFFFFFFF0];
	[tilespmem:s21+$0x3060 ss:$0x81] =	vst.msk $0xffff, v2  }
.Ltmp3:
0x62: {  	v4 =	vld [tilespmem:s20+$0x0];
	[tilespmem:s21+$0x0 ss:$0x81] =	vst.msk $0xffff, v1;
	s21 =	sadd.s32 s25, s22;
	(pc) =	sbr.rel @p1 .LBB1_3-.Ltmp3, $4  }
0x63: {  	v3 =	vld [tilespmem:s20+$0x10];
	[tilespmem:s21+$0x3870 ss:$0x81] =	vst.msk $0xffff, v0  }
0x64: {  	[tilespmem:s21+$0x810 ss:$0x81] =	vst.msk $0xffff, v5;
	v2 =	vld [tilespmem:s20+$0x20]  }
0x65: {  	v1 =	vld [tilespmem:s20+$0xFFFFFFC0];
	[tilespmem:s21+$0x1020 ss:$0x81] =	vst.msk $0xffff, v6;
	s20 =	sadd.s32 $0x80, s20  }
0x66: {  	s24 =	sadd.s32 $0x4, s24;
	v0 =	vld [tilespmem:s20+$0x30];
	[tilespmem:s21+$0x1830 ss:$0x81] =	vst.msk $0xffff, v7  }
.Ltmp4:
0x67: {  	_ = 	snop;
	(pc) =	sbr.rel .LBB1_4-.Ltmp4, $1  }
0x68: {  	_ =	sdelay $0x3  }
.LBB1_6:
0x69: {  	_ =	sfence.sel $0x180000  }
0x6a: {  	s2 =	simm.s32 $0x1;
	[bflag:$0x0] =	sbarrier.arrive $0xFFFF  }
0x6b: {  	s31 =	simm.s32 $0x2;
	[sflag:s2] =	ssyncpa.u1 $0x1  }
0x6c: {  	[sflag:s31] =	ssyncpa.u1 $0x1  }
0x6d: {  	p0 =	sne.s32 s0, $0x0;
	_ =	strace $0x9000004A  }
0x6e: {  	s0 =	sadd.s32 @!p0 $0x100000, s1;
	[bflag:$0x2] =	sbarrier.arrive $0xFFFF  }
0x6f: {  	[sflag:s0] =	ssyncadd.tile.s32 @!p0 $0x1;
	_ =	shalt  }
.Lfunc_end1:
_tile_overlayer_lowered:
.L_overlay_start_2:
0x70: {  	(tag) =	ssettag $0x2  }
0x71: {  	s0 =	rddreg [dreg:$0x0];
	s2 =	stileid.u32  }
0x72: {  	s1 =	rddreg [dreg:$0x1];
	p0 =	sne.s32 s2, $0x0  }
0x73: {  	s3 =	rddreg [dreg:$0x2];
	[bflag:$0x3] =	sbarrier.arrive $0xFFFF;
	s2 =	simm.s32 @!p0 $0x1C01  }
0x74: {  	[timem:s3], [sflag:s2] =	dma.local @!p0 [hbm:s0], s1  }
0x75: {  	s0 =	simm.s32 @!p0 $0x1  }
0x76: {  	_ =	swait.ge @!p0 [sflag:s0], s1  }
0x77: {  	s1 =	ssub.s32 @!p0 $0x0, s1;
	[sflag:s0] =	ssyncset.done @!p0 $0x0  }
0x78: {  	[sflag:s0] =	ssyncadd.s32 @!p0 s1  }
0x79: {  	[bflag:$0x3] =	sbarrier.arrive $0xFFFF  }
0x7a: {  	_ =	shalt  }

</sc_bundles>
